<compile_context>
chip_gen: v7x
topology: tpu7x:2x2x1
jax: 0.10.2.dev20260603
libtpu: 0.0.44.dev20260713+nightly
codegen_flags: <defaults>
</compile_context>

<pallas_src>
import jax
import jax.numpy as jnp
from jax import lax
from jax.experimental import pallas as pl
from jax.experimental.pallas import tpu as pltpu
from jax.experimental.pallas import tpu_sc as plsc

VOCAB = 1000000
EMBED = 64
BATCH = 4096
HIST = 200

NUM_CORES = 2
NUM_SUBCORES = 16
NUM_WORKERS = NUM_CORES * NUM_SUBCORES
ROWS_PER_WORKER = BATCH // NUM_WORKERS
CHUNK_ROWS = 2
CHUNK_IDS = CHUNK_ROWS * HIST
NUM_CHUNKS = ROWS_PER_WORKER // CHUNK_ROWS
LANES = 16
VPR = EMBED // LANES
PACK = 2 * EMBED
HALF_V = VOCAB // 2
OUT_W = ROWS_PER_WORKER * EMBED

_splits = []
_off = 0
while _off < CHUNK_IDS:
    _sz = min(128, CHUNK_IDS - _off)
    _splits.append((_off, _sz))
    _off += _sz
GATHER_SPLITS = tuple(_splits)


RP_WIN = 320
RP_GROUPS = VOCAB // RP_WIN
RP_STEPS = RP_WIN * EMBED // LANES


def _sc_repack_kernel(table_hbm, packed_hbm, vin0, vin1, vout0, vout1,
                      rsem0, rsem1, wsem0, wsem1):
    wid = lax.axis_index("s") * NUM_CORES + lax.axis_index("c")
    lane = lax.iota(jnp.int32, LANES)
    vins, vouts = (vin0, vin1), (vout0, vout1)
    rsems, wsems = (rsem0, rsem1), (wsem0, wsem1)

    def fetch(g, buf):
        @pl.when(g < RP_GROUPS)
        def _():
            base = pl.multiple_of(g * RP_WIN, 8)
            pltpu.async_copy(table_hbm.at[pl.ds(base, RP_WIN)], vins[buf],
                             rsems[buf])

    def work(g, buf):
        @pl.when(g < RP_GROUPS)
        def _():
            base = pl.multiple_of(g * RP_WIN, 8)
            pltpu.make_async_copy(table_hbm.at[pl.ds(base, RP_WIN)],
                                  vins[buf], rsems[buf]).wait()

            @pl.loop(0, RP_STEPS, unroll=8)
            def _stp(k):
                flat = lane + k * LANES
                v = plsc.load_gather(
                    vins[buf],
                    [lax.shift_right_logical(flat, 6), flat & (EMBED - 1)])
                plsc.store_scatter(
                    vouts[buf],
                    [lax.shift_right_logical(flat, 7), flat & (PACK - 1)], v)

            obase = pl.multiple_of(g * (RP_WIN // 2), 8)
            pltpu.async_copy(vouts[buf],
                             packed_hbm.at[pl.ds(obase, RP_WIN // 2)],
                             wsems[buf])

    def drain_w(g, buf):
        @pl.when(jnp.logical_and(g >= 0, g < RP_GROUPS))
        def _():
            obase = pl.multiple_of(g * (RP_WIN // 2), 8)
            pltpu.make_async_copy(vouts[buf],
                                  packed_hbm.at[pl.ds(obase, RP_WIN // 2)],
                                  wsems[buf]).wait()

    fetch(wid, 0)

    @pl.loop(0, RP_GROUPS // NUM_WORKERS + 4, step=2)
    def _grp(t):
        for b in range(2):
            g = wid + (t + b) * NUM_WORKERS
            fetch(g + NUM_WORKERS, 1 - b)
            drain_w(g - 2 * NUM_WORKERS, b)
            work(g, b)


@jax.jit
def _sc_repack(emb_table):
    mesh = plsc.VectorSubcoreMesh(core_axis_name="c", subcore_axis_name="s")
    return pl.kernel(
        _sc_repack_kernel,
        out_type=jax.ShapeDtypeStruct((HALF_V, PACK), jnp.float32),
        mesh=mesh,
        compiler_params=pltpu.CompilerParams(needs_layout_passes=False),
        scratch_types=[
            pltpu.VMEM((RP_WIN, EMBED), jnp.float32),
            pltpu.VMEM((RP_WIN, EMBED), jnp.float32),
            pltpu.VMEM((RP_WIN // 2, PACK), jnp.float32),
            pltpu.VMEM((RP_WIN // 2, PACK), jnp.float32),
            pltpu.SemaphoreType.DMA,
            pltpu.SemaphoreType.DMA,
            pltpu.SemaphoreType.DMA,
            pltpu.SemaphoreType.DMA,
        ],
    )(emb_table)


def _pool_kernel(ids_hbm, packed_hbm, out_hbm,
                 idx0, idx1, pidx0, pidx1, rows0, rows1, out_loc,
                 sem0, sem1):
    wid = lax.axis_index("s") * NUM_CORES + lax.axis_index("c")
    ids_base = wid * ROWS_PER_WORKER * HIST
    idxs, pidxs, rows, sems = (
        (idx0, idx1), (pidx0, pidx1), (rows0, rows1), (sem0, sem1))

    col = [lax.iota(jnp.int32, LANES) + v * LANES for v in range(VPR)]

    def stage(c, buf):
        pltpu.sync_copy(
            ids_hbm.at[pl.ds(ids_base + c * CHUNK_IDS, CHUNK_IDS)],
            idxs[buf],
        )

        @pl.loop(0, CHUNK_IDS // LANES)
        def _split(k):
            iv = col[0] + k * LANES
            v = plsc.load_gather(idxs[buf], [iv])
            plsc.store_scatter(pidxs[buf], [iv],
                               lax.shift_right_logical(v, 1))

        for off, sz in GATHER_SPLITS:
            pltpu.async_copy(
                packed_hbm.at[pidxs[buf].at[pl.ds(off, sz)]],
                rows[buf].at[pl.ds(off, sz)],
                sems[buf],
            )

    def drain(buf):
        pltpu.make_async_copy(
            packed_hbm.at[pl.ds(0, CHUNK_IDS)], rows[buf], sems[buf]
        ).wait()

    def pool(c, buf):
        for r in range(CHUNK_ROWS):
            zeros = tuple(jnp.zeros((LANES,), jnp.float32)
                          for _ in range(VPR))

            @pl.loop(0, HIST // 8, init_carry=zeros)
            def accs(k, acc):
                idv = plsc.load_gather(idxs[buf], [col[0] + (r * HIST + k * 8)])
                pfi = lax.shift_left((idv & 1), 6)
                for l in range(8):
                    j = r * HIST + k * 8 + l
                    jvec = jnp.full((LANES,), 0, jnp.int32) + j
                    ps = jnp.take_along_axis(
                        pfi, jnp.full((LANES,), l, jnp.int32), axis=0)
                    acc = tuple(
                        acc[v] + plsc.load_gather(rows[buf],
                                                  [jvec, col[v] + ps])
                        for v in range(VPR)
                    )
                return acc

            obase = (c * CHUNK_ROWS + r) * EMBED
            for v in range(VPR):
                plsc.store_scatter(out_loc, [col[0] + (obase + v * LANES)],
                                   accs[v] * (1.0 / HIST))

    stage(0, 0)

    @pl.loop(0, NUM_CHUNKS, step=2)
    def _main(cc):
        for b in range(2):
            c = cc + b
            if b == 0:
                stage(cc + 1, 1)
            else:
                @pl.when(cc < NUM_CHUNKS - 2)
                def _():
                    stage(cc + 2, 0)
            drain(b)
            pool(c, b)

    pltpu.sync_copy(out_loc, out_hbm.at[pl.ds(wid * OUT_W, OUT_W)])


@jax.jit
def _pooled_means(ids_flat, packed_table):
    mesh = plsc.VectorSubcoreMesh(core_axis_name="c", subcore_axis_name="s")
    return pl.kernel(
        _pool_kernel,
        out_type=jax.ShapeDtypeStruct((BATCH * EMBED,), jnp.float32),
        mesh=mesh,
        compiler_params=pltpu.CompilerParams(needs_layout_passes=False),
        scratch_types=[
            pltpu.VMEM((CHUNK_IDS,), jnp.int32),
            pltpu.VMEM((CHUNK_IDS,), jnp.int32),
            pltpu.VMEM((CHUNK_IDS,), jnp.int32),
            pltpu.VMEM((CHUNK_IDS,), jnp.int32),
            pltpu.VMEM((CHUNK_IDS, PACK), jnp.float32),
            pltpu.VMEM((CHUNK_IDS, PACK), jnp.float32),
            pltpu.VMEM((OUT_W,), jnp.float32),
            pltpu.SemaphoreType.DMA,
            pltpu.SemaphoreType.DMA,
        ],
    )(ids_flat, packed_table)


def _proj_kernel(x_ref, w_ref, b_ref, o_ref):
    o_ref[...] = (
        lax.dot_general(
            x_ref[...], w_ref[...],
            (((1,), (1,)), ((), ())),
            preferred_element_type=jnp.float32,
        )
        + b_ref[...]
    )


@jax.jit
def _project(pooled, W, b2d):
    return pl.pallas_call(
        _proj_kernel,
        out_shape=jax.ShapeDtypeStruct((BATCH, EMBED), jnp.float32),
    )(pooled, W, b2d)


def kernel(input_ids, emb_table, W, b):
    ids_flat = input_ids.reshape(-1).astype(jnp.int32)
    packed_table = _sc_repack(emb_table)
    pooled = _pooled_means(ids_flat, packed_table).reshape(BATCH, EMBED)
    return _project(pooled, W, b.reshape(1, EMBED))

# --- scband reference (transcript-rebuilt; emitter-appended) ---
"""Pipeline reference for scband-simple-embedding-model-13460427505963 (READ-ONLY COPY).

The authoritative reference and input builder live on the scoring server;
editing this copy changes nothing except your own understanding.
"""

import jax, jax.numpy as jnp
import numpy as np

VOCAB = 1000000
EMBED = 64
BATCH = 4096
HIST = 200

def setup_inputs(seed: int = 0) -> dict:
    key = jax.random.key(seed)
    k1, k2, k3, k4 = jax.random.split(key, 4)
    input_ids = jax.random.randint(k1, (BATCH, HIST), 0, VOCAB, dtype=jnp.int64) if jax.config.jax_enable_x64 else jax.random.randint(k1, (BATCH, HIST), 0, VOCAB, dtype=jnp.int32)
    emb_table = jax.random.normal(k2, (VOCAB, EMBED), dtype=jnp.float32)
    W = jax.random.normal(k3, (EMBED, EMBED), dtype=jnp.float32) * (1.0 / np.sqrt(EMBED))
    b = jax.random.normal(k4, (EMBED,), dtype=jnp.float32) * 0.01
    return {"input_ids": input_ids, "emb_table": emb_table, "W": W, "b": b}

def reference(input_ids, emb_table, W, b):
    # embedding lookup (gather)
    embedded = jnp.take(emb_table, input_ids, axis=0)  # [B, L, D]
    pooled = embedded.mean(axis=1)                      # [B, D]
    output = pooled @ W.T + b                           # nn.Linear: x @ W^T + b
    return output

if __name__ == "__main__":
    import jax
    _d = setup_inputs()
    print(jax.jit(kernel)(*tuple(_d.values())))

</pallas_src>

<mosaic_0001>
#map = affine_map<(d0, d1) -> (0, 0)>
module attributes {stable_mosaic.version = 14 : i64} {
  func.func @_sc_repack_kernel(%arg0: i32, %arg1: i32, %arg2: memref<1000000x64xf32, #tpu.memory_space<hbm>>, %arg3: memref<500000x128xf32, #tpu.memory_space<hbm>>, %arg4: memref<320x64xf32, #tpu.memory_space<vmem>>, %arg5: memref<320x64xf32, #tpu.memory_space<vmem>>, %arg6: memref<160x128xf32, #tpu.memory_space<vmem>>, %arg7: memref<160x128xf32, #tpu.memory_space<vmem>>, %arg8: memref<!tpu.dma_semaphore, #tpu.memory_space<semaphore_mem>>, %arg9: memref<!tpu.dma_semaphore, #tpu.memory_space<semaphore_mem>>, %arg10: memref<!tpu.dma_semaphore, #tpu.memory_space<semaphore_mem>>, %arg11: memref<!tpu.dma_semaphore, #tpu.memory_space<semaphore_mem>>) attributes {dimension_semantics = [#tpu.dimension_semantics<core_parallel>, #tpu.dimension_semantics<subcore_parallel>], iteration_bounds = array<i64: 2, 16>, scalar_prefetch = 0 : i64, scratch_operands = 8 : i64, tpu.core_type = #tpu.core_type<sc_vector_subcore>, window_params = [{transform_indices = #map}, {transform_indices = #map}]} {
    %mul3A = arith.constant 2 : i32
    %mul3A_0 = arith.muli %arg1, %mul3A : i32
    %add3A = arith.addi %mul3A_0, %arg0 : i32
    %iota3A = tpu.iota {dimensions = array<i32: 0>} : vector<16xi32>
    %lt3A = arith.constant 3125 : i32
    %lt3A_1 = arith.cmpi slt, %add3A, %lt3A : i32
    %convert_element_type3A = arith.extui %lt3A_1 : i1 to i32
    %cond3A = arith.constant 0 : i32
    %cond3A_2 = arith.cmpi ne, %convert_element_type3A, %cond3A : i32
    scf.if %cond3A_2 {
      %mul3A_7 = arith.constant 320 : i32
      %mul3A_8 = arith.muli %add3A, %mul3A_7 : i32
      %multiple_of3A = tpu.assume_multiple %mul3A_8, 8 : i32
      %dma_start3A = arith.constant 0 : i32
      %dma_start3A_9 = tpu.memref_slice %arg2[%multiple_of3A, %dma_start3A] : memref<1000000x64xf32, #tpu.memory_space<hbm>> -> memref<320x64xf32, #tpu.memory_space<hbm>>
      %dma_start3A_10 = arith.constant 0 : i32
      %dma_start3A_11 = tpu.memref_slice %arg2[%multiple_of3A, %dma_start3A_10] : memref<1000000x64xf32, #tpu.memory_space<hbm>> -> memref<320x64xf32, #tpu.memory_space<hbm>>
      tpu.enqueue_dma source(%dma_start3A_11 : memref<320x64xf32, #tpu.memory_space<hbm>>) target(%arg4 : memref<320x64xf32, #tpu.memory_space<vmem>>) target_semaphore(%arg8 : memref<!tpu.dma_semaphore, #tpu.memory_space<semaphore_mem>>)
    } else {
    }
    %scan3A = arith.constant 0 : i32
    %scan3A_3 = arith.constant 51 : i32
    %scan3A_4 = arith.addi %scan3A, %scan3A_3 : i32
    %scan3A_5 = arith.constant 1 : i32
    scf.for %scan3A_7 = %scan3A to %scan3A_4 step %scan3A_5  : i32 {
      %mul3A_8 = arith.constant 2 : i32
      %mul3A_9 = arith.muli %scan3A_7, %mul3A_8 : i32
      %add3A_10 = arith.constant 0 : i32
      %add3A_11 = arith.addi %add3A_10, %mul3A_9 : i32
      %add3A_12 = arith.constant 0 : i32
      %add3A_13 = arith.addi %add3A_11, %add3A_12 : i32
      %mul3A_14 = arith.constant 32 : i32
      %mul3A_15 = arith.muli %add3A_13, %mul3A_14 : i32
      %add3A_16 = arith.addi %add3A, %mul3A_15 : i32
      %add3A_17 = arith.constant 32 : i32
      %add3A_18 = arith.addi %add3A_16, %add3A_17 : i32
      %lt3A_19 = arith.constant 3125 : i32
      %lt3A_20 = arith.cmpi slt, %add3A_18, %lt3A_19 : i32
      %convert_element_type3A_21 = arith.extui %lt3A_20 : i1 to i32
      %cond3A_22 = arith.constant 0 : i32
      %cond3A_23 = arith.cmpi ne, %convert_element_type3A_21, %cond3A_22 : i32
      scf.if %cond3A_23 {
        %mul3A_63 = arith.constant 320 : i32
        %mul3A_64 = arith.muli %add3A_18, %mul3A_63 : i32
        %multiple_of3A = tpu.assume_multiple %mul3A_64, 8 : i32
        %dma_start3A = arith.constant 0 : i32
        %dma_start3A_65 = tpu.memref_slice %arg2[%multiple_of3A, %dma_start3A] : memref<1000000x64xf32, #tpu.memory_space<hbm>> -> memref<320x64xf32, #tpu.memory_space<hbm>>
        %dma_start3A_66 = arith.constant 0 : i32
        %dma_start3A_67 = tpu.memref_slice %arg2[%multiple_of3A, %dma_start3A_66] : memref<1000000x64xf32, #tpu.memory_space<hbm>> -> memref<320x64xf32, #tpu.memory_space<hbm>>
        tpu.enqueue_dma source(%dma_start3A_67 : memref<320x64xf32, #tpu.memory_space<hbm>>) target(%arg5 : memref<320x64xf32, #tpu.memory_space<vmem>>) target_semaphore(%arg9 : memref<!tpu.dma_semaphore, #tpu.memory_space<semaphore_mem>>)
      } else {
      }
      %sub3A = arith.constant 64 : i32
      %sub3A_24 = arith.subi %add3A_16, %sub3A : i32
      %ge3A = arith.constant 0 : i32
      %ge3A_25 = arith.cmpi sge, %sub3A_24, %ge3A : i32
      %lt3A_26 = arith.constant 3125 : i32
      %lt3A_27 = arith.cmpi slt, %sub3A_24, %lt3A_26 : i32
      %and3A = arith.andi %ge3A_25, %lt3A_27 : i1
      %convert_element_type3A_28 = arith.extui %and3A : i1 to i32
      %cond3A_29 = arith.constant 0 : i32
      %cond3A_30 = arith.cmpi ne, %convert_element_type3A_28, %cond3A_29 : i32
      scf.if %cond3A_30 {
        %mul3A_63 = arith.constant 160 : i32
        %mul3A_64 = arith.muli %sub3A_24, %mul3A_63 : i32
        %multiple_of3A = tpu.assume_multiple %mul3A_64, 8 : i32
        %dma_wait3A = arith.constant 0 : i32
        %dma_wait3A_65 = tpu.memref_slice %arg3[%multiple_of3A, %dma_wait3A] : memref<500000x128xf32, #tpu.memory_space<hbm>> -> memref<160x128xf32, #tpu.memory_space<hbm>>
        %dma_wait3A_66 = arith.constant 0 : i32
        %dma_wait3A_67 = tpu.memref_slice %arg3[%multiple_of3A, %dma_wait3A_66] : memref<500000x128xf32, #tpu.memory_space<hbm>> -> memref<160x128xf32, #tpu.memory_space<hbm>>
        tpu.wait_dma2 semaphore(%arg10 : memref<!tpu.dma_semaphore, #tpu.memory_space<semaphore_mem>>) src(%arg6 : memref<160x128xf32, #tpu.memory_space<vmem>>) dst(%dma_wait3A_67 : memref<160x128xf32, #tpu.memory_space<hbm>>)
      } else {
      }
      %lt3A_31 = arith.constant 3125 : i32
      %lt3A_32 = arith.cmpi slt, %add3A_16, %lt3A_31 : i32
      %convert_element_type3A_33 = arith.extui %lt3A_32 : i1 to i32
      %cond3A_34 = arith.constant 0 : i32
      %cond3A_35 = arith.cmpi ne, %convert_element_type3A_33, %cond3A_34 : i32
      scf.if %cond3A_35 {
        %mul3A_63 = arith.constant 320 : i32
        %mul3A_64 = arith.muli %add3A_16, %mul3A_63 : i32
        %multiple_of3A = tpu.assume_multiple %mul3A_64, 8 : i32
        %dma_wait3A = arith.constant 0 : i32
        %dma_wait3A_65 = tpu.memref_slice %arg2[%multiple_of3A, %dma_wait3A] : memref<1000000x64xf32, #tpu.memory_space<hbm>> -> memref<320x64xf32, #tpu.memory_space<hbm>>
        %dma_wait3A_66 = arith.constant 0 : i32
        %dma_wait3A_67 = tpu.memref_slice %arg2[%multiple_of3A, %dma_wait3A_66] : memref<1000000x64xf32, #tpu.memory_space<hbm>> -> memref<320x64xf32, #tpu.memory_space<hbm>>
        tpu.wait_dma2 semaphore(%arg8 : memref<!tpu.dma_semaphore, #tpu.memory_space<semaphore_mem>>) src(%dma_wait3A_67 : memref<320x64xf32, #tpu.memory_space<hbm>>) dst(%arg4 : memref<320x64xf32, #tpu.memory_space<vmem>>)
        %scan3A_68 = arith.constant 0 : i32
        %scan3A_69 = arith.constant 1280 : i32
        %scan3A_70 = arith.addi %scan3A_68, %scan3A_69 : i32
        %scan3A_71 = arith.constant 8 : i32
        scf.for %scan3A_79 = %scan3A_68 to %scan3A_70 step %scan3A_71  : i32 {
          %mul3A_80 = arith.constant 1 : i32
          %mul3A_81 = arith.muli %scan3A_79, %mul3A_80 : i32
          %add3A_82 = arith.constant 0 : i32
          %add3A_83 = arith.addi %add3A_82, %mul3A_81 : i32
          %mul3A_84 = arith.constant 16 : i32
          %mul3A_85 = arith.muli %add3A_83, %mul3A_84 : i32
          %add3A_86 = vector.broadcast %mul3A_85 : i32 to vector<16xi32>
          %add3A_87 = arith.addi %iota3A, %add3A_86 : vector<16xi32>
          %shift_right_logical3A = arith.constant 6 : i32
          %shift_right_logical3A_88 = vector.broadcast %shift_right_logical3A : i32 to vector<16xi32>
          %shift_right_logical3A_89 = arith.shrui %add3A_87, %shift_right_logical3A_88 : vector<16xi32>
          %and3A_90 = arith.constant 63 : i32
          %and3A_91 = vector.broadcast %and3A_90 : i32 to vector<16xi32>
          %and3A_92 = arith.andi %add3A_87, %and3A_91 : vector<16xi32>
          %gather3A = tpu.vector_load_idx %arg4[%shift_right_logical3A_89, %and3A_92] : memref<320x64xf32, #tpu.memory_space<vmem>>[vector<16xi32>, vector<16xi32>], vector<16xf32>,
          %shift_right_logical3A_93 = arith.constant 7 : i32
          %shift_right_logical3A_94 = vector.broadcast %shift_right_logical3A_93 : i32 to vector<16xi32>
          %shift_right_logical3A_95 = arith.shrui %add3A_87, %shift_right_logical3A_94 : vector<16xi32>
          %and3A_96 = arith.constant 127 : i32
          %and3A_97 = vector.broadcast %and3A_96 : i32 to vector<16xi32>
          %and3A_98 = arith.andi %add3A_87, %and3A_97 : vector<16xi32>
          tpu.vector_store_idx %arg6[%shift_right_logical3A_95, %and3A_98], %gather3A : memref<160x128xf32, #tpu.memory_space<vmem>>[vector<16xi32>, vector<16xi32>], vector<16xf32>,
          %scan3A_99 = arith.constant 1 : i32
          %scan3A_100 = arith.addi %scan3A_79, %scan3A_99 : i32
          %mul3A_101 = arith.constant 1 : i32
          %mul3A_102 = arith.muli %scan3A_100, %mul3A_101 : i32
          %add3A_103 = arith.constant 0 : i32
          %add3A_104 = arith.addi %add3A_103, %mul3A_102 : i32
          %mul3A_105 = arith.constant 16 : i32
          %mul3A_106 = arith.muli %add3A_104, %mul3A_105 : i32
          %add3A_107 = vector.broadcast %mul3A_106 : i32 to vector<16xi32>
          %add3A_108 = arith.addi %iota3A, %add3A_107 : vector<16xi32>
          %shift_right_logical3A_109 = arith.constant 6 : i32
          %shift_right_logical3A_110 = vector.broadcast %shift_right_logical3A_109 : i32 to vector<16xi32>
          %shift_right_logical3A_111 = arith.shrui %add3A_108, %shift_right_logical3A_110 : vector<16xi32>
          %and3A_112 = arith.constant 63 : i32
          %and3A_113 = vector.broadcast %and3A_112 : i32 to vector<16xi32>
          %and3A_114 = arith.andi %add3A_108, %and3A_113 : vector<16xi32>
          %gather3A_115 = tpu.vector_load_idx %arg4[%shift_right_logical3A_111, %and3A_114] : memref<320x64xf32, #tpu.memory_space<vmem>>[vector<16xi32>, vector<16xi32>], vector<16xf32>,
          %shift_right_logical3A_116 = arith.constant 7 : i32
          %shift_right_logical3A_117 = vector.broadcast %shift_right_logical3A_116 : i32 to vector<16xi32>
          %shift_right_logical3A_118 = arith.shrui %add3A_108, %shift_right_logical3A_117 : vector<16xi32>
          %and3A_119 = arith.constant 127 : i32
          %and3A_120 = vector.broadcast %and3A_119 : i32 to vector<16xi32>
          %and3A_121 = arith.andi %add3A_108, %and3A_120 : vector<16xi32>
          tpu.vector_store_idx %arg6[%shift_right_logical3A_118, %and3A_121], %gather3A_115 : memref<160x128xf32, #tpu.memory_space<vmem>>[vector<16xi32>, vector<16xi32>], vector<16xf32>,
          %scan3A_122 = arith.constant 2 : i32
          %scan3A_123 = arith.addi %scan3A_79, %scan3A_122 : i32
          %mul3A_124 = arith.constant 1 : i32
          %mul3A_125 = arith.muli %scan3A_123, %mul3A_124 : i32
          %add3A_126 = arith.constant 0 : i32
          %add3A_127 = arith.addi %add3A_126, %mul3A_125 : i32
          %mul3A_128 = arith.constant 16 : i32
          %mul3A_129 = arith.muli %add3A_127, %mul3A_128 : i32
          %add3A_130 = vector.broadcast %mul3A_129 : i32 to vector<16xi32>
          %add3A_131 = arith.addi %iota3A, %add3A_130 : vector<16xi32>
          %shift_right_logical3A_132 = arith.constant 6 : i32
          %shift_right_logical3A_133 = vector.broadcast %shift_right_logical3A_132 : i32 to vector<16xi32>
          %shift_right_logical3A_134 = arith.shrui %add3A_131, %shift_right_logical3A_133 : vector<16xi32>
          %and3A_135 = arith.constant 63 : i32
          %and3A_136 = vector.broadcast %and3A_135 : i32 to vector<16xi32>
          %and3A_137 = arith.andi %add3A_131, %and3A_136 : vector<16xi32>
          %gather3A_138 = tpu.vector_load_idx %arg4[%shift_right_logical3A_134, %and3A_137] : memref<320x64xf32, #tpu.memory_space<vmem>>[vector<16xi32>, vector<16xi32>], vector<16xf32>,
          %shift_right_logical3A_139 = arith.constant 7 : i32
          %shift_right_logical3A_140 = vector.broadcast %shift_right_logical3A_139 : i32 to vector<16xi32>
          %shift_right_logical3A_141 = arith.shrui %add3A_131, %shift_right_logical3A_140 : vector<16xi32>
          %and3A_142 = arith.constant 127 : i32
          %and3A_143 = vector.broadcast %and3A_142 : i32 to vector<16xi32>
          %and3A_144 = arith.andi %add3A_131, %and3A_143 : vector<16xi32>
          tpu.vector_store_idx %arg6[%shift_right_logical3A_141, %and3A_144], %gather3A_138 : memref<160x128xf32, #tpu.memory_space<vmem>>[vector<16xi32>, vector<16xi32>], vector<16xf32>,
          %scan3A_145 = arith.constant 3 : i32
          %scan3A_146 = arith.addi %scan3A_79, %scan3A_145 : i32
          %mul3A_147 = arith.constant 1 : i32
          %mul3A_148 = arith.muli %scan3A_146, %mul3A_147 : i32
          %add3A_149 = arith.constant 0 : i32
          %add3A_150 = arith.addi %add3A_149, %mul3A_148 : i32
          %mul3A_151 = arith.constant 16 : i32
          %mul3A_152 = arith.muli %add3A_150, %mul3A_151 : i32
          %add3A_153 = vector.broadcast %mul3A_152 : i32 to vector<16xi32>
          %add3A_154 = arith.addi %iota3A, %add3A_153 : vector<16xi32>
          %shift_right_logical3A_155 = arith.constant 6 : i32
          %shift_right_logical3A_156 = vector.broadcast %shift_right_logical3A_155 : i32 to vector<16xi32>
          %shift_right_logical3A_157 = arith.shrui %add3A_154, %shift_right_logical3A_156 : vector<16xi32>
          %and3A_158 = arith.constant 63 : i32
          %and3A_159 = vector.broadcast %and3A_158 : i32 to vector<16xi32>
          %and3A_160 = arith.andi %add3A_154, %and3A_159 : vector<16xi32>
          %gather3A_161 = tpu.vector_load_idx %arg4[%shift_right_logical3A_157, %and3A_160] : memref<320x64xf32, #tpu.memory_space<vmem>>[vector<16xi32>, vector<16xi32>], vector<16xf32>,
          %shift_right_logical3A_162 = arith.constant 7 : i32
          %shift_right_logical3A_163 = vector.broadcast %shift_right_logical3A_162 : i32 to vector<16xi32>
          %shift_right_logical3A_164 = arith.shrui %add3A_154, %shift_right_logical3A_163 : vector<16xi32>
          %and3A_165 = arith.constant 127 : i32
          %and3A_166 = vector.broadcast %and3A_165 : i32 to vector<16xi32>
          %and3A_167 = arith.andi %add3A_154, %and3A_166 : vector<16xi32>
          tpu.vector_store_idx %arg6[%shift_right_logical3A_164, %and3A_167], %gather3A_161 : memref<160x128xf32, #tpu.memory_space<vmem>>[vector<16xi32>, vector<16xi32>], vector<16xf32>,
          %scan3A_168 = arith.constant 4 : i32
          %scan3A_169 = arith.addi %scan3A_79, %scan3A_168 : i32
          %mul3A_170 = arith.constant 1 : i32
          %mul3A_171 = arith.muli %scan3A_169, %mul3A_170 : i32
          %add3A_172 = arith.constant 0 : i32
          %add3A_173 = arith.addi %add3A_172, %mul3A_171 : i32
          %mul3A_174 = arith.constant 16 : i32
          %mul3A_175 = arith.muli %add3A_173, %mul3A_174 : i32
          %add3A_176 = vector.broadcast %mul3A_175 : i32 to vector<16xi32>
          %add3A_177 = arith.addi %iota3A, %add3A_176 : vector<16xi32>
          %shift_right_logical3A_178 = arith.constant 6 : i32
          %shift_right_logical3A_179 = vector.broadcast %shift_right_logical3A_178 : i32 to vector<16xi32>
          %shift_right_logical3A_180 = arith.shrui %add3A_177, %shift_right_logical3A_179 : vector<16xi32>
          %and3A_181 = arith.constant 63 : i32
          %and3A_182 = vector.broadcast %and3A_181 : i32 to vector<16xi32>
          %and3A_183 = arith.andi %add3A_177, %and3A_182 : vector<16xi32>
          %gather3A_184 = tpu.vector_load_idx %arg4[%shift_right_logical3A_180, %and3A_183] : memref<320x64xf32, #tpu.memory_space<vmem>>[vector<16xi32>, vector<16xi32>], vector<16xf32>,
          %shift_right_logical3A_185 = arith.constant 7 : i32
          %shift_right_logical3A_186 = vector.broadcast %shift_right_logical3A_185 : i32 to vector<16xi32>
          %shift_right_logical3A_187 = arith.shrui %add3A_177, %shift_right_logical3A_186 : vector<16xi32>
          %and3A_188 = arith.constant 127 : i32
          %and3A_189 = vector.broadcast %and3A_188 : i32 to vector<16xi32>
          %and3A_190 = arith.andi %add3A_177, %and3A_189 : vector<16xi32>
          tpu.vector_store_idx %arg6[%shift_right_logical3A_187, %and3A_190], %gather3A_184 : memref<160x128xf32, #tpu.memory_space<vmem>>[vector<16xi32>, vector<16xi32>], vector<16xf32>,
          %scan3A_191 = arith.constant 5 : i32
          %scan3A_192 = arith.addi %scan3A_79, %scan3A_191 : i32
          %mul3A_193 = arith.constant 1 : i32
          %mul3A_194 = arith.muli %scan3A_192, %mul3A_193 : i32
          %add3A_195 = arith.constant 0 : i32
          %add3A_196 = arith.addi %add3A_195, %mul3A_194 : i32
          %mul3A_197 = arith.constant 16 : i32
          %mul3A_198 = arith.muli %add3A_196, %mul3A_197 : i32
          %add3A_199 = vector.broadcast %mul3A_198 : i32 to vector<16xi32>
          %add3A_200 = arith.addi %iota3A, %add3A_199 : vector<16xi32>
          %shift_right_logical3A_201 = arith.constant 6 : i32
          %shift_right_logical3A_202 = vector.broadcast %shift_right_logical3A_201 : i32 to vector<16xi32>
          %shift_right_logical3A_203 = arith.shrui %add3A_200, %shift_right_logical3A_202 : vector<16xi32>
          %and3A_204 = arith.constant 63 : i32
          %and3A_205 = vector.broadcast %and3A_204 : i32 to vector<16xi32>
          %and3A_206 = arith.andi %add3A_200, %and3A_205 : vector<16xi32>
          %gather3A_207 = tpu.vector_load_idx %arg4[%shift_right_logical3A_203, %and3A_206] : memref<320x64xf32, #tpu.memory_space<vmem>>[vector<16xi32>, vector<16xi32>], vector<16xf32>,
          %shift_right_logical3A_208 = arith.constant 7 : i32
          %shift_right_logical3A_209 = vector.broadcast %shift_right_logical3A_208 : i32 to vector<16xi32>
          %shift_right_logical3A_210 = arith.shrui %add3A_200, %shift_right_logical3A_209 : vector<16xi32>
          %and3A_211 = arith.constant 127 : i32
          %and3A_212 = vector.broadcast %and3A_211 : i32 to vector<16xi32>
          %and3A_213 = arith.andi %add3A_200, %and3A_212 : vector<16xi32>
          tpu.vector_store_idx %arg6[%shift_right_logical3A_210, %and3A_213], %gather3A_207 : memref<160x128xf32, #tpu.memory_space<vmem>>[vector<16xi32>, vector<16xi32>], vector<16xf32>,
          %scan3A_214 = arith.constant 6 : i32
          %scan3A_215 = arith.addi %scan3A_79, %scan3A_214 : i32
          %mul3A_216 = arith.constant 1 : i32
          %mul3A_217 = arith.muli %scan3A_215, %mul3A_216 : i32
          %add3A_218 = arith.constant 0 : i32
          %add3A_219 = arith.addi %add3A_218, %mul3A_217 : i32
          %mul3A_220 = arith.constant 16 : i32
          %mul3A_221 = arith.muli %add3A_219, %mul3A_220 : i32
          %add3A_222 = vector.broadcast %mul3A_221 : i32 to vector<16xi32>
          %add3A_223 = arith.addi %iota3A, %add3A_222 : vector<16xi32>
          %shift_right_logical3A_224 = arith.constant 6 : i32
          %shift_right_logical3A_225 = vector.broadcast %shift_right_logical3A_224 : i32 to vector<16xi32>
          %shift_right_logical3A_226 = arith.shrui %add3A_223, %shift_right_logical3A_225 : vector<16xi32>
          %and3A_227 = arith.constant 63 : i32
          %and3A_228 = vector.broadcast %and3A_227 : i32 to vector<16xi32>
          %and3A_229 = arith.andi %add3A_223, %and3A_228 : vector<16xi32>
          %gather3A_230 = tpu.vector_load_idx %arg4[%shift_right_logical3A_226, %and3A_229] : memref<320x64xf32, #tpu.memory_space<vmem>>[vector<16xi32>, vector<16xi32>], vector<16xf32>,
          %shift_right_logical3A_231 = arith.constant 7 : i32
          %shift_right_logical3A_232 = vector.broadcast %shift_right_logical3A_231 : i32 to vector<16xi32>
          %shift_right_logical3A_233 = arith.shrui %add3A_223, %shift_right_logical3A_232 : vector<16xi32>
          %and3A_234 = arith.constant 127 : i32
          %and3A_235 = vector.broadcast %and3A_234 : i32 to vector<16xi32>
          %and3A_236 = arith.andi %add3A_223, %and3A_235 : vector<16xi32>
          tpu.vector_store_idx %arg6[%shift_right_logical3A_233, %and3A_236], %gather3A_230 : memref<160x128xf32, #tpu.memory_space<vmem>>[vector<16xi32>, vector<16xi32>], vector<16xf32>,
          %scan3A_237 = arith.constant 7 : i32
          %scan3A_238 = arith.addi %scan3A_79, %scan3A_237 : i32
          %mul3A_239 = arith.constant 1 : i32
          %mul3A_240 = arith.muli %scan3A_238, %mul3A_239 : i32
          %add3A_241 = arith.constant 0 : i32
          %add3A_242 = arith.addi %add3A_241, %mul3A_240 : i32
          %mul3A_243 = arith.constant 16 : i32
          %mul3A_244 = arith.muli %add3A_242, %mul3A_243 : i32
          %add3A_245 = vector.broadcast %mul3A_244 : i32 to vector<16xi32>
          %add3A_246 = arith.addi %iota3A, %add3A_245 : vector<16xi32>
          %shift_right_logical3A_247 = arith.constant 6 : i32
          %shift_right_logical3A_248 = vector.broadcast %shift_right_logical3A_247 : i32 to vector<16xi32>
          %shift_right_logical3A_249 = arith.shrui %add3A_246, %shift_right_logical3A_248 : vector<16xi32>
          %and3A_250 = arith.constant 63 : i32
          %and3A_251 = vector.broadcast %and3A_250 : i32 to vector<16xi32>
          %and3A_252 = arith.andi %add3A_246, %and3A_251 : vector<16xi32>
          %gather3A_253 = tpu.vector_load_idx %arg4[%shift_right_logical3A_249, %and3A_252] : memref<320x64xf32, #tpu.memory_space<vmem>>[vector<16xi32>, vector<16xi32>], vector<16xf32>,
          %shift_right_logical3A_254 = arith.constant 7 : i32
          %shift_right_logical3A_255 = vector.broadcast %shift_right_logical3A_254 : i32 to vector<16xi32>
          %shift_right_logical3A_256 = arith.shrui %add3A_246, %shift_right_logical3A_255 : vector<16xi32>
          %and3A_257 = arith.constant 127 : i32
          %and3A_258 = vector.broadcast %and3A_257 : i32 to vector<16xi32>
          %and3A_259 = arith.andi %add3A_246, %and3A_258 : vector<16xi32>
          tpu.vector_store_idx %arg6[%shift_right_logical3A_256, %and3A_259], %gather3A_253 : memref<160x128xf32, #tpu.memory_space<vmem>>[vector<16xi32>, vector<16xi32>], vector<16xf32>,
        }
        %scan3A_72 = arith.constant 1280 : i32
        %mul3A_73 = arith.constant 160 : i32
        %mul3A_74 = arith.muli %add3A_16, %mul3A_73 : i32
        %multiple_of3A_75 = tpu.assume_multiple %mul3A_74, 8 : i32
        %dma_start3A = arith.constant 0 : i32
        %dma_start3A_76 = tpu.memref_slice %arg3[%multiple_of3A_75, %dma_start3A] : memref<500000x128xf32, #tpu.memory_space<hbm>> -> memref<160x128xf32, #tpu.memory_space<hbm>>
        %dma_start3A_77 = arith.constant 0 : i32
        %dma_start3A_78 = tpu.memref_slice %arg3[%multiple_of3A_75, %dma_start3A_77] : memref<500000x128xf32, #tpu.memory_space<hbm>> -> memref<160x128xf32, #tpu.memory_space<hbm>>
        tpu.enqueue_dma source(%arg6 : memref<160x128xf32, #tpu.memory_space<vmem>>) target(%dma_start3A_78 : memref<160x128xf32, #tpu.memory_space<hbm>>) target_semaphore(%arg10 : memref<!tpu.dma_semaphore, #tpu.memory_space<semaphore_mem>>)
      } else {
      }
      %add3A_36 = arith.constant 1 : i32
      %add3A_37 = arith.addi %add3A_11, %add3A_36 : i32
      %mul3A_38 = arith.constant 32 : i32
      %mul3A_39 = arith.muli %add3A_37, %mul3A_38 : i32
      %add3A_40 = arith.addi %add3A, %mul3A_39 : i32
      %add3A_41 = arith.constant 32 : i32
      %add3A_42 = arith.addi %add3A_40, %add3A_41 : i32
      %lt3A_43 = arith.constant 3125 : i32
      %lt3A_44 = arith.cmpi slt, %add3A_42, %lt3A_43 : i32
      %convert_element_type3A_45 = arith.extui %lt3A_44 : i1 to i32
      %cond3A_46 = arith.constant 0 : i32
      %cond3A_47 = arith.cmpi ne, %convert_element_type3A_45, %cond3A_46 : i32
      scf.if %cond3A_47 {
        %mul3A_63 = arith.constant 320 : i32
        %mul3A_64 = arith.muli %add3A_42, %mul3A_63 : i32
        %multiple_of3A = tpu.assume_multiple %mul3A_64, 8 : i32
        %dma_start3A = arith.constant 0 : i32
        %dma_start3A_65 = tpu.memref_slice %arg2[%multiple_of3A, %dma_start3A] : memref<1000000x64xf32, #tpu.memory_space<hbm>> -> memref<320x64xf32, #tpu.memory_space<hbm>>
        %dma_start3A_66 = arith.constant 0 : i32
        %dma_start3A_67 = tpu.memref_slice %arg2[%multiple_of3A, %dma_start3A_66] : memref<1000000x64xf32, #tpu.memory_space<hbm>> -> memref<320x64xf32, #tpu.memory_space<hbm>>
        tpu.enqueue_dma source(%dma_start3A_67 : memref<320x64xf32, #tpu.memory_space<hbm>>) target(%arg4 : memref<320x64xf32, #tpu.memory_space<vmem>>) target_semaphore(%arg8 : memref<!tpu.dma_semaphore, #tpu.memory_space<semaphore_mem>>)
      } else {
      }
      %sub3A_48 = arith.constant 64 : i32
      %sub3A_49 = arith.subi %add3A_40, %sub3A_48 : i32
      %ge3A_50 = arith.constant 0 : i32
      %ge3A_51 = arith.cmpi sge, %sub3A_49, %ge3A_50 : i32
      %lt3A_52 = arith.constant 3125 : i32
      %lt3A_53 = arith.cmpi slt, %sub3A_49, %lt3A_52 : i32
      %and3A_54 = arith.andi %ge3A_51, %lt3A_53 : i1
      %convert_element_type3A_55 = arith.extui %and3A_54 : i1 to i32
      %cond3A_56 = arith.constant 0 : i32
      %cond3A_57 = arith.cmpi ne, %convert_element_type3A_55, %cond3A_56 : i32
      scf.if %cond3A_57 {
        %mul3A_63 = arith.constant 160 : i32
        %mul3A_64 = arith.muli %sub3A_49, %mul3A_63 : i32
        %multiple_of3A = tpu.assume_multiple %mul3A_64, 8 : i32
        %dma_wait3A = arith.constant 0 : i32
        %dma_wait3A_65 = tpu.memref_slice %arg3[%multiple_of3A, %dma_wait3A] : memref<500000x128xf32, #tpu.memory_space<hbm>> -> memref<160x128xf32, #tpu.memory_space<hbm>>
        %dma_wait3A_66 = arith.constant 0 : i32
        %dma_wait3A_67 = tpu.memref_slice %arg3[%multiple_of3A, %dma_wait3A_66] : memref<500000x128xf32, #tpu.memory_space<hbm>> -> memref<160x128xf32, #tpu.memory_space<hbm>>
        tpu.wait_dma2 semaphore(%arg11 : memref<!tpu.dma_semaphore, #tpu.memory_space<semaphore_mem>>) src(%arg7 : memref<160x128xf32, #tpu.memory_space<vmem>>) dst(%dma_wait3A_67 : memref<160x128xf32, #tpu.memory_space<hbm>>)
      } else {
      }
      %lt3A_58 = arith.constant 3125 : i32
      %lt3A_59 = arith.cmpi slt, %add3A_40, %lt3A_58 : i32
      %convert_element_type3A_60 = arith.extui %lt3A_59 : i1 to i32
      %cond3A_61 = arith.constant 0 : i32
      %cond3A_62 = arith.cmpi ne, %convert_element_type3A_60, %cond3A_61 : i32
      scf.if %cond3A_62 {
        %mul3A_63 = arith.constant 320 : i32
        %mul3A_64 = arith.muli %add3A_40, %mul3A_63 : i32
        %multiple_of3A = tpu.assume_multiple %mul3A_64, 8 : i32
        %dma_wait3A = arith.constant 0 : i32
        %dma_wait3A_65 = tpu.memref_slice %arg2[%multiple_of3A, %dma_wait3A] : memref<1000000x64xf32, #tpu.memory_space<hbm>> -> memref<320x64xf32, #tpu.memory_space<hbm>>
        %dma_wait3A_66 = arith.constant 0 : i32
        %dma_wait3A_67 = tpu.memref_slice %arg2[%multiple_of3A, %dma_wait3A_66] : memref<1000000x64xf32, #tpu.memory_space<hbm>> -> memref<320x64xf32, #tpu.memory_space<hbm>>
        tpu.wait_dma2 semaphore(%arg9 : memref<!tpu.dma_semaphore, #tpu.memory_space<semaphore_mem>>) src(%dma_wait3A_67 : memref<320x64xf32, #tpu.memory_space<hbm>>) dst(%arg5 : memref<320x64xf32, #tpu.memory_space<vmem>>)
        %scan3A_68 = arith.constant 0 : i32
        %scan3A_69 = arith.constant 1280 : i32
        %scan3A_70 = arith.addi %scan3A_68, %scan3A_69 : i32
        %scan3A_71 = arith.constant 8 : i32
        scf.for %scan3A_79 = %scan3A_68 to %scan3A_70 step %scan3A_71  : i32 {
          %mul3A_80 = arith.constant 1 : i32
          %mul3A_81 = arith.muli %scan3A_79, %mul3A_80 : i32
          %add3A_82 = arith.constant 0 : i32
          %add3A_83 = arith.addi %add3A_82, %mul3A_81 : i32
          %mul3A_84 = arith.constant 16 : i32
          %mul3A_85 = arith.muli %add3A_83, %mul3A_84 : i32
          %add3A_86 = vector.broadcast %mul3A_85 : i32 to vector<16xi32>
          %add3A_87 = arith.addi %iota3A, %add3A_86 : vector<16xi32>
          %shift_right_logical3A = arith.constant 6 : i32
          %shift_right_logical3A_88 = vector.broadcast %shift_right_logical3A : i32 to vector<16xi32>
          %shift_right_logical3A_89 = arith.shrui %add3A_87, %shift_right_logical3A_88 : vector<16xi32>
          %and3A_90 = arith.constant 63 : i32
          %and3A_91 = vector.broadcast %and3A_90 : i32 to vector<16xi32>
          %and3A_92 = arith.andi %add3A_87, %and3A_91 : vector<16xi32>
          %gather3A = tpu.vector_load_idx %arg5[%shift_right_logical3A_89, %and3A_92] : memref<320x64xf32, #tpu.memory_space<vmem>>[vector<16xi32>, vector<16xi32>], vector<16xf32>,
          %shift_right_logical3A_93 = arith.constant 7 : i32
          %shift_right_logical3A_94 = vector.broadcast %shift_right_logical3A_93 : i32 to vector<16xi32>
          %shift_right_logical3A_95 = arith.shrui %add3A_87, %shift_right_logical3A_94 : vector<16xi32>
          %and3A_96 = arith.constant 127 : i32
          %and3A_97 = vector.broadcast %and3A_96 : i32 to vector<16xi32>
          %and3A_98 = arith.andi %add3A_87, %and3A_97 : vector<16xi32>
          tpu.vector_store_idx %arg7[%shift_right_logical3A_95, %and3A_98], %gather3A : memref<160x128xf32, #tpu.memory_space<vmem>>[vector<16xi32>, vector<16xi32>], vector<16xf32>,
          %scan3A_99 = arith.constant 1 : i32
          %scan3A_100 = arith.addi %scan3A_79, %scan3A_99 : i32
          %mul3A_101 = arith.constant 1 : i32
          %mul3A_102 = arith.muli %scan3A_100, %mul3A_101 : i32
          %add3A_103 = arith.constant 0 : i32
          %add3A_104 = arith.addi %add3A_103, %mul3A_102 : i32
          %mul3A_105 = arith.constant 16 : i32
          %mul3A_106 = arith.muli %add3A_104, %mul3A_105 : i32
          %add3A_107 = vector.broadcast %mul3A_106 : i32 to vector<16xi32>
          %add3A_108 = arith.addi %iota3A, %add3A_107 : vector<16xi32>
          %shift_right_logical3A_109 = arith.constant 6 : i32
          %shift_right_logical3A_110 = vector.broadcast %shift_right_logical3A_109 : i32 to vector<16xi32>
          %shift_right_logical3A_111 = arith.shrui %add3A_108, %shift_right_logical3A_110 : vector<16xi32>
          %and3A_112 = arith.constant 63 : i32
          %and3A_113 = vector.broadcast %and3A_112 : i32 to vector<16xi32>
          %and3A_114 = arith.andi %add3A_108, %and3A_113 : vector<16xi32>
          %gather3A_115 = tpu.vector_load_idx %arg5[%shift_right_logical3A_111, %and3A_114] : memref<320x64xf32, #tpu.memory_space<vmem>>[vector<16xi32>, vector<16xi32>], vector<16xf32>,
          %shift_right_logical3A_116 = arith.constant 7 : i32
          %shift_right_logical3A_117 = vector.broadcast %shift_right_logical3A_116 : i32 to vector<16xi32>
          %shift_right_logical3A_118 = arith.shrui %add3A_108, %shift_right_logical3A_117 : vector<16xi32>
          %and3A_119 = arith.constant 127 : i32
          %and3A_120 = vector.broadcast %and3A_119 : i32 to vector<16xi32>
          %and3A_121 = arith.andi %add3A_108, %and3A_120 : vector<16xi32>
          tpu.vector_store_idx %arg7[%shift_right_logical3A_118, %and3A_121], %gather3A_115 : memref<160x128xf32, #tpu.memory_space<vmem>>[vector<16xi32>, vector<16xi32>], vector<16xf32>,
          %scan3A_122 = arith.constant 2 : i32
          %scan3A_123 = arith.addi %scan3A_79, %scan3A_122 : i32
          %mul3A_124 = arith.constant 1 : i32
          %mul3A_125 = arith.muli %scan3A_123, %mul3A_124 : i32
          %add3A_126 = arith.constant 0 : i32
          %add3A_127 = arith.addi %add3A_126, %mul3A_125 : i32
          %mul3A_128 = arith.constant 16 : i32
          %mul3A_129 = arith.muli %add3A_127, %mul3A_128 : i32
          %add3A_130 = vector.broadcast %mul3A_129 : i32 to vector<16xi32>
          %add3A_131 = arith.addi %iota3A, %add3A_130 : vector<16xi32>
          %shift_right_logical3A_132 = arith.constant 6 : i32
          %shift_right_logical3A_133 = vector.broadcast %shift_right_logical3A_132 : i32 to vector<16xi32>
          %shift_right_logical3A_134 = arith.shrui %add3A_131, %shift_right_logical3A_133 : vector<16xi32>
          %and3A_135 = arith.constant 63 : i32
          %and3A_136 = vector.broadcast %and3A_135 : i32 to vector<16xi32>
          %and3A_137 = arith.andi %add3A_131, %and3A_136 : vector<16xi32>
          %gather3A_138 = tpu.vector_load_idx %arg5[%shift_right_logical3A_134, %and3A_137] : memref<320x64xf32, #tpu.memory_space<vmem>>[vector<16xi32>, vector<16xi32>], vector<16xf32>,
          %shift_right_logical3A_139 = arith.constant 7 : i32
          %shift_right_logical3A_140 = vector.broadcast %shift_right_logical3A_139 : i32 to vector<16xi32>
          %shift_right_logical3A_141 = arith.shrui %add3A_131, %shift_right_logical3A_140 : vector<16xi32>
          %and3A_142 = arith.constant 127 : i32
          %and3A_143 = vector.broadcast %and3A_142 : i32 to vector<16xi32>
          %and3A_144 = arith.andi %add3A_131, %and3A_143 : vector<16xi32>
          tpu.vector_store_idx %arg7[%shift_right_logical3A_141, %and3A_144], %gather3A_138 : memref<160x128xf32, #tpu.memory_space<vmem>>[vector<16xi32>, vector<16xi32>], vector<16xf32>,
          %scan3A_145 = arith.constant 3 : i32
          %scan3A_146 = arith.addi %scan3A_79, %scan3A_145 : i32
          %mul3A_147 = arith.constant 1 : i32
          %mul3A_148 = arith.muli %scan3A_146, %mul3A_147 : i32
          %add3A_149 = arith.constant 0 : i32
          %add3A_150 = arith.addi %add3A_149, %mul3A_148 : i32
          %mul3A_151 = arith.constant 16 : i32
          %mul3A_152 = arith.muli %add3A_150, %mul3A_151 : i32
          %add3A_153 = vector.broadcast %mul3A_152 : i32 to vector<16xi32>
          %add3A_154 = arith.addi %iota3A, %add3A_153 : vector<16xi32>
          %shift_right_logical3A_155 = arith.constant 6 : i32
          %shift_right_logical3A_156 = vector.broadcast %shift_right_logical3A_155 : i32 to vector<16xi32>
          %shift_right_logical3A_157 = arith.shrui %add3A_154, %shift_right_logical3A_156 : vector<16xi32>
          %and3A_158 = arith.constant 63 : i32
          %and3A_159 = vector.broadcast %and3A_158 : i32 to vector<16xi32>
          %and3A_160 = arith.andi %add3A_154, %and3A_159 : vector<16xi32>
          %gather3A_161 = tpu.vector_load_idx %arg5[%shift_right_logical3A_157, %and3A_160] : memref<320x64xf32, #tpu.memory_space<vmem>>[vector<16xi32>, vector<16xi32>], vector<16xf32>,
          %shift_right_logical3A_162 = arith.constant 7 : i32
          %shift_right_logical3A_163 = vector.broadcast %shift_right_logical3A_162 : i32 to vector<16xi32>
          %shift_right_logical3A_164 = arith.shrui %add3A_154, %shift_right_logical3A_163 : vector<16xi32>
          %and3A_165 = arith.constant 127 : i32
          %and3A_166 = vector.broadcast %and3A_165 : i32 to vector<16xi32>
          %and3A_167 = arith.andi %add3A_154, %and3A_166 : vector<16xi32>
          tpu.vector_store_idx %arg7[%shift_right_logical3A_164, %and3A_167], %gather3A_161 : memref<160x128xf32, #tpu.memory_space<vmem>>[vector<16xi32>, vector<16xi32>], vector<16xf32>,
          %scan3A_168 = arith.constant 4 : i32
          %scan3A_169 = arith.addi %scan3A_79, %scan3A_168 : i32
          %mul3A_170 = arith.constant 1 : i32
          %mul3A_171 = arith.muli %scan3A_169, %mul3A_170 : i32
          %add3A_172 = arith.constant 0 : i32
          %add3A_173 = arith.addi %add3A_172, %mul3A_171 : i32
          %mul3A_174 = arith.constant 16 : i32
          %mul3A_175 = arith.muli %add3A_173, %mul3A_174 : i32
          %add3A_176 = vector.broadcast %mul3A_175 : i32 to vector<16xi32>
          %add3A_177 = arith.addi %iota3A, %add3A_176 : vector<16xi32>
          %shift_right_logical3A_178 = arith.constant 6 : i32
          %shift_right_logical3A_179 = vector.broadcast %shift_right_logical3A_178 : i32 to vector<16xi32>
          %shift_right_logical3A_180 = arith.shrui %add3A_177, %shift_right_logical3A_179 : vector<16xi32>
          %and3A_181 = arith.constant 63 : i32
          %and3A_182 = vector.broadcast %and3A_181 : i32 to vector<16xi32>
          %and3A_183 = arith.andi %add3A_177, %and3A_182 : vector<16xi32>
          %gather3A_184 = tpu.vector_load_idx %arg5[%shift_right_logical3A_180, %and3A_183] : memref<320x64xf32, #tpu.memory_space<vmem>>[vector<16xi32>, vector<16xi32>], vector<16xf32>,
          %shift_right_logical3A_185 = arith.constant 7 : i32
          %shift_right_logical3A_186 = vector.broadcast %shift_right_logical3A_185 : i32 to vector<16xi32>
          %shift_right_logical3A_187 = arith.shrui %add3A_177, %shift_right_logical3A_186 : vector<16xi32>
          %and3A_188 = arith.constant 127 : i32
          %and3A_189 = vector.broadcast %and3A_188 : i32 to vector<16xi32>
          %and3A_190 = arith.andi %add3A_177, %and3A_189 : vector<16xi32>
          tpu.vector_store_idx %arg7[%shift_right_logical3A_187, %and3A_190], %gather3A_184 : memref<160x128xf32, #tpu.memory_space<vmem>>[vector<16xi32>, vector<16xi32>], vector<16xf32>,
          %scan3A_191 = arith.constant 5 : i32
          %scan3A_192 = arith.addi %scan3A_79, %scan3A_191 : i32
          %mul3A_193 = arith.constant 1 : i32
          %mul3A_194 = arith.muli %scan3A_192, %mul3A_193 : i32
          %add3A_195 = arith.constant 0 : i32
          %add3A_196 = arith.addi %add3A_195, %mul3A_194 : i32
          %mul3A_197 = arith.constant 16 : i32
          %mul3A_198 = arith.muli %add3A_196, %mul3A_197 : i32
          %add3A_199 = vector.broadcast %mul3A_198 : i32 to vector<16xi32>
          %add3A_200 = arith.addi %iota3A, %add3A_199 : vector<16xi32>
          %shift_right_logical3A_201 = arith.constant 6 : i32
          %shift_right_logical3A_202 = vector.broadcast %shift_right_logical3A_201 : i32 to vector<16xi32>
          %shift_right_logical3A_203 = arith.shrui %add3A_200, %shift_right_logical3A_202 : vector<16xi32>
          %and3A_204 = arith.constant 63 : i32
          %and3A_205 = vector.broadcast %and3A_204 : i32 to vector<16xi32>
          %and3A_206 = arith.andi %add3A_200, %and3A_205 : vector<16xi32>
          %gather3A_207 = tpu.vector_load_idx %arg5[%shift_right_logical3A_203, %and3A_206] : memref<320x64xf32, #tpu.memory_space<vmem>>[vector<16xi32>, vector<16xi32>], vector<16xf32>,
          %shift_right_logical3A_208 = arith.constant 7 : i32
          %shift_right_logical3A_209 = vector.broadcast %shift_right_logical3A_208 : i32 to vector<16xi32>
          %shift_right_logical3A_210 = arith.shrui %add3A_200, %shift_right_logical3A_209 : vector<16xi32>
          %and3A_211 = arith.constant 127 : i32
          %and3A_212 = vector.broadcast %and3A_211 : i32 to vector<16xi32>
          %and3A_213 = arith.andi %add3A_200, %and3A_212 : vector<16xi32>
          tpu.vector_store_idx %arg7[%shift_right_logical3A_210, %and3A_213], %gather3A_207 : memref<160x128xf32, #tpu.memory_space<vmem>>[vector<16xi32>, vector<16xi32>], vector<16xf32>,
          %scan3A_214 = arith.constant 6 : i32
          %scan3A_215 = arith.addi %scan3A_79, %scan3A_214 : i32
          %mul3A_216 = arith.constant 1 : i32
          %mul3A_217 = arith.muli %scan3A_215, %mul3A_216 : i32
          %add3A_218 = arith.constant 0 : i32
          %add3A_219 = arith.addi %add3A_218, %mul3A_217 : i32
          %mul3A_220 = arith.constant 16 : i32
          %mul3A_221 = arith.muli %add3A_219, %mul3A_220 : i32
          %add3A_222 = vector.broadcast %mul3A_221 : i32 to vector<16xi32>
          %add3A_223 = arith.addi %iota3A, %add3A_222 : vector<16xi32>
          %shift_right_logical3A_224 = arith.constant 6 : i32
          %shift_right_logical3A_225 = vector.broadcast %shift_right_logical3A_224 : i32 to vector<16xi32>
          %shift_right_logical3A_226 = arith.shrui %add3A_223, %shift_right_logical3A_225 : vector<16xi32>
          %and3A_227 = arith.constant 63 : i32
          %and3A_228 = vector.broadcast %and3A_227 : i32 to vector<16xi32>
          %and3A_229 = arith.andi %add3A_223, %and3A_228 : vector<16xi32>
          %gather3A_230 = tpu.vector_load_idx %arg5[%shift_right_logical3A_226, %and3A_229] : memref<320x64xf32, #tpu.memory_space<vmem>>[vector<16xi32>, vector<16xi32>], vector<16xf32>,
          %shift_right_logical3A_231 = arith.constant 7 : i32
          %shift_right_logical3A_232 = vector.broadcast %shift_right_logical3A_231 : i32 to vector<16xi32>
          %shift_right_logical3A_233 = arith.shrui %add3A_223, %shift_right_logical3A_232 : vector<16xi32>
          %and3A_234 = arith.constant 127 : i32
          %and3A_235 = vector.broadcast %and3A_234 : i32 to vector<16xi32>
          %and3A_236 = arith.andi %add3A_223, %and3A_235 : vector<16xi32>
          tpu.vector_store_idx %arg7[%shift_right_logical3A_233, %and3A_236], %gather3A_230 : memref<160x128xf32, #tpu.memory_space<vmem>>[vector<16xi32>, vector<16xi32>], vector<16xf32>,
          %scan3A_237 = arith.constant 7 : i32
          %scan3A_238 = arith.addi %scan3A_79, %scan3A_237 : i32
          %mul3A_239 = arith.constant 1 : i32
          %mul3A_240 = arith.muli %scan3A_238, %mul3A_239 : i32
          %add3A_241 = arith.constant 0 : i32
          %add3A_242 = arith.addi %add3A_241, %mul3A_240 : i32
          %mul3A_243 = arith.constant 16 : i32
          %mul3A_244 = arith.muli %add3A_242, %mul3A_243 : i32
          %add3A_245 = vector.broadcast %mul3A_244 : i32 to vector<16xi32>
          %add3A_246 = arith.addi %iota3A, %add3A_245 : vector<16xi32>
          %shift_right_logical3A_247 = arith.constant 6 : i32
          %shift_right_logical3A_248 = vector.broadcast %shift_right_logical3A_247 : i32 to vector<16xi32>
          %shift_right_logical3A_249 = arith.shrui %add3A_246, %shift_right_logical3A_248 : vector<16xi32>
          %and3A_250 = arith.constant 63 : i32
          %and3A_251 = vector.broadcast %and3A_250 : i32 to vector<16xi32>
          %and3A_252 = arith.andi %add3A_246, %and3A_251 : vector<16xi32>
          %gather3A_253 = tpu.vector_load_idx %arg5[%shift_right_logical3A_249, %and3A_252] : memref<320x64xf32, #tpu.memory_space<vmem>>[vector<16xi32>, vector<16xi32>], vector<16xf32>,
          %shift_right_logical3A_254 = arith.constant 7 : i32
          %shift_right_logical3A_255 = vector.broadcast %shift_right_logical3A_254 : i32 to vector<16xi32>
          %shift_right_logical3A_256 = arith.shrui %add3A_246, %shift_right_logical3A_255 : vector<16xi32>
          %and3A_257 = arith.constant 127 : i32
          %and3A_258 = vector.broadcast %and3A_257 : i32 to vector<16xi32>
          %and3A_259 = arith.andi %add3A_246, %and3A_258 : vector<16xi32>
          tpu.vector_store_idx %arg7[%shift_right_logical3A_256, %and3A_259], %gather3A_253 : memref<160x128xf32, #tpu.memory_space<vmem>>[vector<16xi32>, vector<16xi32>], vector<16xf32>,
        }
        %scan3A_72 = arith.constant 1280 : i32
        %mul3A_73 = arith.constant 160 : i32
        %mul3A_74 = arith.muli %add3A_40, %mul3A_73 : i32
        %multiple_of3A_75 = tpu.assume_multiple %mul3A_74, 8 : i32
        %dma_start3A = arith.constant 0 : i32
        %dma_start3A_76 = tpu.memref_slice %arg3[%multiple_of3A_75, %dma_start3A] : memref<500000x128xf32, #tpu.memory_space<hbm>> -> memref<160x128xf32, #tpu.memory_space<hbm>>
        %dma_start3A_77 = arith.constant 0 : i32
        %dma_start3A_78 = tpu.memref_slice %arg3[%multiple_of3A_75, %dma_start3A_77] : memref<500000x128xf32, #tpu.memory_space<hbm>> -> memref<160x128xf32, #tpu.memory_space<hbm>>
        tpu.enqueue_dma source(%arg7 : memref<160x128xf32, #tpu.memory_space<vmem>>) target(%dma_start3A_78 : memref<160x128xf32, #tpu.memory_space<hbm>>) target_semaphore(%arg11 : memref<!tpu.dma_semaphore, #tpu.memory_space<semaphore_mem>>)
      } else {
      }
    }
    %scan3A_6 = arith.constant 51 : i32
    return
  }
}

</mosaic_0001>

<sc_bundles>
// kernel: _sc_repack.3.cloned.1.call-start
scs
__scs_entry_jumppad:
0x0: {  	(pc) =	sbr.rel $0x88, $3  }
0x1: {  	(tag) =	ssettag $0x0;
	lr =	simm.s32 $0x1  }
0x2: {  	[smem:$0x3FA0] =	sst lr;
	_ =	strace $0xD0000000  }
0x3: {  	_ = 	snop  }
0x4: {  	_ = 	snop  }
0x5: {  	_ = 	snop  }
0x6: {  	_ = 	snop  }
0x7: {  	_ = 	snop  }
__scs_overlays_trampoline_lowered:
0x8: {  	[smem:$0x3FAF] =	sst s0  }
0x9: {  	[smem:$0x3FB0] =	sst s1  }
0xa: {  	[smem:$0x3FB1] =	sst s2  }
0xb: {  	[smem:$0x3FB2] =	sst s3  }
0xc: {  	[smem:$0x3FB3] =	sst s4  }
0xd: {  	[smem:$0x3FB4] =	sst s5  }
0xe: {  	[smem:$0x3FB5] =	sst s6  }
0xf: {  	[smem:$0x3FB6] =	sst s7  }
0x10: {  	[smem:$0x3FB7] =	sst s8  }
0x11: {  	[smem:$0x3FB8] =	sst s9;
	s0 =	simm.s32 @!p0 $0x0  }
0x12: {  	s1 =	sld [smem:$0x3F9E];
	s0 =	simm.s32 @p0 $0x1  }
0x13: {  	[smem:$0x3FB9] =	sst s0;
	s0 =	simm.s32 @!p1 $0x0  }
0x14: {  	s2 =	sld [smem:$0x3F9D];
	s0 =	simm.s32 @p1 $0x1  }
0x15: {  	[smem:$0x3FBA] =	sst s0;
	s0 =	simm.s32 @!p2 $0x0  }
0x16: {  	s3 =	sld [smem:$0x3FDB];
	s0 =	simm.s32 @p2 $0x1  }
0x17: {  	s4 =	simm.s32 $0x1BF5;
	[smem:$0x3FBC] =	sst s0  }
0x18: {  	s0 =	sld [smem:$0x3F9F];
	_ =	swait.ge [sflag:s4], $0x0  }
0x19: {  	s7 =	sld [smem:$0x3FA0]  }
0x1a: {  	s8 =	sadd.s32 $0xFFFFE003, lr  }
0x1b: {  	s9 =	sadd.s32 $0xFFFFFEF7, lr;
	s5 =	simm.s32 $0xFFFFFFFF;
	p2 =	slt.u32 s8, $0xFFFFF086  }
0x1c: {  	p1 =	slt.u32 s9, $0xF7A;
	s5 =	simm.s32 @!p2 $0x0  }
0x1d: {  	s5 =	simm.s32 @p1 $0x1;
	p0 =	seq.s32 s7, s2  }
0x1e: {  	s7 =	smul.u32 @!p0 $0xF7A, s2;
	p2 =	seq.s32 @!p0 s5, $0x0  }
0x1f: {  	s9 =	smul.u32 $0xF7A, s1;
	s8 =	simm.s32 @!p0 $0x1BF5;
	p2 =	por !p2, p0  }
0x20: {  	[sflag:s8] =	ssyncset.s32 @!p0 $0xFFFFF086;
	s6 =	sadd.s32 @!p0 s3, s7;
	s7 =	simm.s32 @!p0 $0x108  }
0x21: {  	s3 =	sadd.s32 s3, s9;
	s6 =	sadd.s32 @!p0 $0x88, s6;
	s7 =	simm.s32 @p2 $0x1082  }
0x22: {  	[simem:s7], [sflag:s8] =	dma.local @!p0 [hbm:s6], $0xF7A  }
0x23: {  	s9 =	sor.u32 $0xD0000000, s2;
	s6 =	simm.s32 $0x108;
	_ =	swait.ge @!p0 [sflag:s8], $0x0  }
0x24: {  	s3 =	sadd.s32 $0x88, s3;
	s6 =	simm.s32 @!p1 $0x1082;
	[sflag:s4] =	ssyncset.s32 $0xFFFFF086  }
0x25: {  	[simem:s6], [sflag:s4] =	dma.local [hbm:s3], $0xF7A  }
0x26: {  	[smem:$0x3FA0] =	sst s1;
	(tag) =	ssettag s2;
	_ =	strace s9  }
0x27: {  	s1 =	sld [smem:$0x3FB0]  }
0x28: {  	s2 =	sld [smem:$0x3FB1]  }
0x29: {  	s4 =	sld [smem:$0x3FB3]  }
0x2a: {  	p0 =	seq.s32 s5, $0x0;
	s5 =	sld [smem:$0x3FB4]  }
0x2b: {  	s6 =	sld [smem:$0x3FB5]  }
0x2c: {  	s7 =	sld [smem:$0x3FB6]  }
0x2d: {  	s3 =	simm.s32 $0x108;
	s8 =	sld [smem:$0x3FB7]  }
0x2e: {  	s3 =	simm.s32 @!p0 $0x1082;
	s9 =	sld [smem:$0x3FB8]  }
0x2f: {  	lr =	sadd.s32 s0, s3;
	s0 =	sld [smem:$0x3FAF]  }
0x30: {  	s3 =	sld [smem:$0x3FB2]  }
0x31: {  	[smem:$0x3FBB] =	sst s10  }
0x32: {  	s10 =	sld [smem:$0x3FB9];
	_ =	sdelay $0x3  }
0x33: {  	p0 =	seq.s32 s10, $0x1;
	s10 =	sld [smem:$0x3FBB];
	_ =	sdelay $0x3  }
0x34: {  	[smem:$0x3FBB] =	sst s10  }
0x35: {  	s10 =	sld [smem:$0x3FBA];
	_ =	sdelay $0x3  }
0x36: {  	p1 =	seq.s32 s10, $0x1;
	s10 =	sld [smem:$0x3FBB];
	_ =	sdelay $0x3  }
0x37: {  	[smem:$0x3FBB] =	sst s10  }
0x38: {  	s10 =	sld [smem:$0x3FBC]  }
0x39: {  	_ = 	snop;
	(pc) =	sbr.ind lr, $3  }
0x3a: {  	_ = 	snop  }
0x3b: {  	_ = 	snop  }
0x3c: {  	p2 =	seq.s32 s10, $0x1;
	s10 =	sld [smem:$0x3FBB]  }
0x3d: {  	_ =	shalt  }
0x3e: {  	_ =	shalt  }
0x3f: {  	_ =	shalt  }
0x40: {  	_ =	shalt  }
0x41: {  	_ =	shalt  }
0x42: {  	_ =	shalt  }
0x43: {  	_ =	shalt  }
0x44: {  	_ =	shalt  }
0x45: {  	_ =	shalt  }
0x46: {  	_ =	shalt  }
0x47: {  	_ =	shalt  }
0x48: {  	_ =	shalt  }
0x49: {  	_ =	shalt  }
0x4a: {  	_ =	shalt  }
0x4b: {  	_ =	shalt  }
0x4c: {  	_ =	shalt  }
0x4d: {  	_ =	shalt  }
0x4e: {  	_ =	shalt  }
0x4f: {  	_ =	shalt  }
0x50: {  	_ =	shalt  }
0x51: {  	_ =	shalt  }
0x52: {  	_ =	shalt  }
0x53: {  	_ =	shalt  }
0x54: {  	_ =	shalt  }
0x55: {  	_ =	shalt  }
0x56: {  	_ =	shalt  }
0x57: {  	_ =	shalt  }
0x58: {  	_ =	shalt  }
0x59: {  	_ =	shalt  }
0x5a: {  	_ =	shalt  }
0x5b: {  	_ =	shalt  }
0x5c: {  	_ =	shalt  }
0x5d: {  	_ =	shalt  }
0x5e: {  	_ =	shalt  }
0x5f: {  	_ =	shalt  }
0x60: {  	_ =	shalt  }
0x61: {  	_ =	shalt  }
0x62: {  	_ =	shalt  }
0x63: {  	_ =	shalt  }
0x64: {  	_ =	shalt  }
0x65: {  	_ =	shalt  }
0x66: {  	_ =	shalt  }
0x67: {  	_ =	shalt  }
0x68: {  	_ =	shalt  }
0x69: {  	_ =	shalt  }
0x6a: {  	_ =	shalt  }
0x6b: {  	_ =	shalt  }
0x6c: {  	_ =	shalt  }
0x6d: {  	_ =	shalt  }
0x6e: {  	_ =	shalt  }
0x6f: {  	_ =	shalt  }
0x70: {  	_ =	shalt  }
0x71: {  	_ =	shalt  }
0x72: {  	_ =	shalt  }
0x73: {  	_ =	shalt  }
0x74: {  	_ =	shalt  }
0x75: {  	_ =	shalt  }
0x76: {  	_ =	shalt  }
0x77: {  	_ =	shalt  }
0x78: {  	_ =	shalt  }
0x79: {  	_ =	shalt  }
0x7a: {  	_ =	shalt  }
0x7b: {  	_ =	shalt  }
0x7c: {  	_ =	shalt  }
0x7d: {  	_ =	shalt  }
0x7e: {  	_ =	shalt  }
0x7f: {  	_ =	shalt  }
0x80: {  	_ =	shalt  }
0x81: {  	_ =	shalt  }
0x82: {  	_ =	shalt  }
0x83: {  	_ =	shalt  }
0x84: {  	_ =	shalt  }
0x85: {  	_ =	shalt  }
0x86: {  	_ =	shalt  }
0x87: {  	_ =	shalt  }
.Lfunc_end0:
.L_simem_size_0:
called_computation_lowered:
.L_overlay_start_0:
0x88: {  	s2 =	sld [smem:$0x3FD9]  }
0x89: {  	s3 =	sld [smem:$0x3FFE];
	_ =	sdelay $0x1  }
0x8a: {  	s1 =	srdreg.scid  }
0x8b: {  	s0 =	sand.u32 $0x1, s1  }
0x8c: {  	s17 =	sshll.u32 s0, $0xA;
	s2 =	sadd.s32 s3, s2  }
0x8d: {  	s2 =	sadd.s32 s2, s17  }
0x8e: {  	[smem:$0x3FC7] =	sst s2  }
0x8f: {  	_ = 	snop  }
0x90: {  	s2 =	sld [smem:$0x3FD0];
	(tm) =	ssettm $0x1  }
0x91: {  	s18 =	sld [smem:$0x3FFB];
	_ =	sdelay $0x3  }
0x92: {  	_ =	strace s18  }
0x93: {  	s3 =	sld [smem:$0x3FFC];
	_ =	sdelay $0x3  }
0x94: {  	_ =	strace s3  }
0x95: {  	s3 =	sld [smem:$0x3FFD];
	_ =	sdelay $0x3  }
0x96: {  	_ =	strace s3  }
0x97: {  	_ =	strace $0x8FFFFFFF  }
0x98: {  	s19 =	sld [smem:$0x3FDB];
	_ =	sdelay $0x1  }
0x99: {  	s4 =	simm.s32 $_scs_section_size  }
0x9a: {  	s5 =	simm.s32 $_size__tile_overlayer_lowered;
	s6 =	simm.s32 $_tile_overlayer_lowered  }
0x9b: {  	s22 =	simm.s32 $0x1BFF;
	s21 =	sshll.u32 s6, $0x1;
	s3 =	sadd.s32 s4, s19  }
0x9c: {  	s7 =	simm.s32 $0x0;
	s20 =	sshll.u32 s5, $0x1;
	s5 =	sadd.s32 s21, s3  }
0x9d: {  	[timem:s7], [sflag:s22] =	dma.local [hbm:s5], s20  }
0x9e: {  	_ =	swait.ge [sflag:s22], s20  }
0x9f: {  	s4 =	ssub.s32 $0x0, s20;
	[sflag:s22] =	ssyncset.done $0x0  }
0xa0: {  	[sflag:s22] =	ssyncadd.s32 s4;
	_ =	sdelay $0x1  }
0xa1: {  	s23 =	simm.s32 $0x1B8B  }
0xa2: {  	_ =	swait.ge [sflag:s23], $0x1  }
0xa3: {  	[sflag:s23] =	ssyncset.done $0x0  }
0xa4: {  	s25 =	simm.s32 $0x1B8E;
	s24 =	sld [smem:$0x3FFE];
	[sflag:s23] =	ssyncadd.s32 $0xFFFFFFFF  }
0xa5: {  	s26 =	simm.s32 $execute0_lowered;
	[smem:$0x3FD2] =	sst s25  }
0xa6: {  	s5 =	sshll.u32 s26, $0x1;
	_ =	strace $0x80000046;
	[dreg:$0x1] =	wrdreg $0xFFFFFFFF  }
0xa7: {  	s28 =	simm.s32 $_size_execute0_lowered;
	s3 =	sadd.s32 s3, s5;
	[dreg:$0x0] =	wrdreg $0x0  }
0xa8: {  	s5 =	sshll.u32 s28, $0x1;
	[dreg:$0x2] =	wrdreg s3  }
0xa9: {  	[dreg:$0x3] =	wrdreg s5  }
0xaa: {  	[dreg:$0x4] =	wrdreg $0xC0  }
0xab: {  	_ =	task [dreg:s7], $0x5FFFF  }
0xac: {  	[dreg:$0x1] =	wrdreg $0xFFFFFFFF  }
0xad: {  	[dreg:$0x0] =	wrdreg $0x60  }
0xae: {  	[dreg:$0x2] =	wrdreg s24  }
0xaf: {  	[dreg:$0x3] =	wrdreg s2  }
0xb0: {  	[dreg:$0x4] =	wrdreg $0x9  }
0xb1: {  	_ =	task.clear_ibuf [dreg:s7], $0x5FFFF;
	_ =	strace $0x90000046  }
0xb2: {  	s29 =	simm.s32 $0x9;
	_ =	strace $0x80000048  }
0xb3: {  	_ =	swait.ge [sflag:s29], $0x1  }
0xb4: {  	[sflag:s29] =	ssyncadd.s32 $0xFFFFFFFF  }
0xb5: {  	_ =	strace $0x90000048  }
0xb6: {  	_ =	sfence  }
0xb7: {  	s30 =	sld [smem:$0x0];
	_ =	sdelay $0x2  }
0xb8: {  	s31 =	sshll.u32 s1, $0xD;
	s1 =	sshrl.u32 s1, $0x2  }
0xb9: {  	s3 =	sand.u32 $0x4000, s31;
	s1 =	sadd.s32 s1, s30  }
0xba: {  	s0 =	sor.u32 s3, s0;
	s1 =	sshll.u32 s1, $0x11  }
0xbb: {  	s0 =	sor.u32 s1, s0  }
0xbc: {  	s0 =	sadd.s32 $0x8F2B, s0  }
0xbd: {  	[sflag:s0] =	ssyncadd.remote.s32 $0x1  }
0xbe: {  	_ =	sfence.sel $0xFFFF  }
0xbf: {  	[dreg:$0x0] =	wrdreg $0xFFFFFFFF;
	(pc) =	sbr.abs _section_cstart, $3  }
0xc0: {  	[dreg:$0x1] =	wrdreg $0xFFFFFFFF  }
0xc1: {  	_ =	task.clear_ibuf [dreg:s7], $0x2FFFF;
	_ =	strace $0x9FFFFFFF  }
0xc2: {  	(tm) =	ssettm $0x7FFFFFFF  }
0xc3: {  	_ =	shalt  }
tec
execute0_lowered:
.L_overlay_start_1:
0x0: {  	(tag) =	ssettag $0x1  }
0x1: {  	s5 =	rddreg [dreg:$0x0]  }
0x2: {  	s2 =	rddreg [dreg:$0x1];
	s3 =	srdreg.scid  }
0x3: {  	s1 =	stileid.u32;
	s0 =	rddreg [dreg:$0x2]  }
0x4: {  	s9 =	simm.s32 $0x14000;
	s10 =	simm.s32 $0x4;
	s11 =	simm.s32 $0x2  }
0x5: {  	s12 =	simm.s32 $0xA000;
	s13 =	simm.s32 $0x19000;
	s14 =	simm.s32 $0x0  }
.Ltmp0:
0x6: {  	s4 =	sand.u32 $0x1, s3;
	s6 =	sshll.u32 s1, $0x1;
	(pc) =	sbr.rel .LBB2_1-.Ltmp0, $4  }
0x7: {  	s3 =	simm.s32 $0x0;
	s7 =	ssub.s32 $0x2, s4;
	s4 =	sor.u32 s4, s6  }
0x8: {  	v0 =	vlaneseq.u32;
	[smem:$0x7FF] =	sst s3;
	s31 =	sshrl.u32 s7, $0x1;
	s8 =	smul.u32 $0x1400, s4  }
0x9: {  	s5 =	sadd.s32 $0x400, s5;
	v1 =	vor.u32 $0x10, v0;
	_ =	strace $0x80000047;
	s7 =	ssub.s32 s7, s31  }
0xa: {  	v2 =	vor.u32 $0x20, v0;
	v3 =	vor.u32 $0x30, v0;
	v4 =	vor.u32 $0x40, v0;
	s6 =	sadd.s32 s5, s8;
	s7 =	smax.u32 s7, $0x1;
	s8 =	simm.s32 $0x1  }
.LBB2_14:
0xb: {  	s14 =	sadd.s32 $0x1, s14  }
0xc: {  	p0 =	sne.s32 s14, s7  }
.Ltmp1:
0xd: {  	_ = 	snop;
	(pc) =	sbr.rel @!p0 .LBB2_15-.Ltmp1, $1  }
0xe: {  	_ =	sdelay $0x3  }
.LBB2_1:
.Ltmp2:
0xf: {  	(pc) =	sbr.rel .LBB2_2-.Ltmp2, $3  }
0x10: {  	_ =	sdelay $0x1  }
0x11: {  	[tilespmem:s3], [sflag:$0x1] =	stream.linear.gather [hbm4b:s6+s3], $0xA000, $0x38;
	[tilespmem:$0x1E000] =	vst v63  }
0x12: {  	s15 =	simm.s32 $0x0  }
.LBB2_13:
0x13: {  	s15 =	sadd.s32 $0x1, s15  }
0x14: {  	p0 =	sne.s32 s15, $0x33  }
.Ltmp3:
0x15: {  	_ = 	snop;
	(pc) =	sbr.rel @!p0 .LBB2_14-.Ltmp3, $1  }
0x16: {  	_ =	sdelay $0x3  }
.LBB2_2:
0x17: {  	s16 =	sshll.u32 s15, $0x6  }
0x18: {  	s17 =	sor.u32 s4, s16  }
0x19: {  	s16 =	sor.u32 $0x20, s17  }
0x1a: {  	p0 =	sgt.u32 s16, $0xC34  }
0x1b: {  	s18 =	smul.u32 @!p0 $0x1400, s16  }
0x1c: {  	s31 =	sadd.s32 $0xFFFFFFC0, s17;
	p2 =	sgt.u32 s17, $0xC34  }
0x1d: {  	s19 =	simm.s32 @!p0 $0x0;
	s20 =	simm.s32 @!p0 $0xA000;
	s18 =	sadd.s32 @!p0 s5, s18  }
0x1e: {  	[tilespmem:s20], [sflag:$0x2] =	stream.linear.gather @!p0 [hbm4b:s18+s19], $0xA000, $0x38;
	[tilespmem:$0x1E000] =	vst v63  }
.Ltmp4:
0x1f: {  	p1 =	sgt.u32 s31, $0xC34;
	(pc) =	sbr.rel @p2 .LBB2_7-.Ltmp4, $4  }
0x20: {  	s18 =	simm.s32 @!p1 $0x3  }
0x21: {  	_ =	swait.ge @!p1 [sflag:s18], $0x5000  }
0x22: {  	[sflag:s18] =	ssyncset.done @!p1 $0x0  }
0x23: {  	[sflag:s18] =	ssyncadd.s32 @!p1 $0xFFFFB000  }
0x24: {  	s18 =	simm.s32 $0x0  }
0x25: {  	v5 =	vmov s18  }
0x26: {  	v5 =	vshll.u32 v5, $0x1  }
0x27: {  	v5 =	vor.u32 v0, v5;
	_ =	sdelay $0x1  }
0x28: {  	_ =	swait.ge [sflag:s8], $0xA000;
	s19 =	simm.s32 $0x10  }
0x29: {  	[sflag:s8] =	ssyncset.done $0x0;
	v6 =	vmov s19  }
0x2a: {  	[sflag:s8] =	ssyncadd.s32 $0xFFFF6000;
	v6 =	vshll.u32 v6, $0x1  }
0x2b: {  	v7 =	vor.u32 s18, v0;
	v6 =	vand.u32 $0xFF00, v6;
	v5 =	vld.idx.msk [tilespmem:v5+s3+$0x0], $0xffff  }
0x2c: {  	v6 =	vor.u32 v1, v6;
	_ =	sdelay $0x1  }
0x2d: {  	s28 =	simm.s32 $0x20  }
0x2e: {  	v8 =	vmov s28  }
0x2f: {  	[tilespmem:v7+s9+$0x0] =	vst.idx.msk $0xffff, v5;
	v5 =	vshll.u32 v8, $0x1  }
0x30: {  	v7 =	vor.u32 s19, v0;
	v6 =	vld.idx.msk [tilespmem:v6+s3+$0x0], $0xffff;
	v5 =	vand.u32 $0xFF00, v5  }
0x31: {  	v5 =	vor.u32 v2, v5;
	_ =	sdelay $0x1  }
0x32: {  	s29 =	simm.s32 $0x30  }
0x33: {  	v8 =	vmov s29  }
0x34: {  	[tilespmem:v7+s9+$0x0] =	vst.idx.msk $0xffff, v6;
	v6 =	vshll.u32 v8, $0x1  }
0x35: {  	v7 =	vor.u32 s28, v0;
	v5 =	vld.idx.msk [tilespmem:v5+s3+$0x0], $0xffff;
	v6 =	vand.u32 $0xFF00, v6  }
0x36: {  	v6 =	vor.u32 v3, v6;
	_ =	sdelay $0x2  }
0x37: {  	s30 =	simm.s32 $0x40  }
0x38: {  	[tilespmem:v7+s9+$0x0] =	vst.idx.msk $0xffff, v5;
	v5 =	vmov s30  }
0x39: {  	v7 =	vor.u32 s29, v0;
	v6 =	vld.idx.msk [tilespmem:v6+s3+$0x0], $0xffff;
	v5 =	vshll.u32 v5, $0x1  }
0x3a: {  	v5 =	vor.u32 v0, v5;
	_ =	sdelay $0x1  }
0x3b: {  	s31 =	simm.s32 $0x50  }
0x3c: {  	v8 =	vmov s31  }
0x3d: {  	[tilespmem:v7+s9+$0x0] =	vst.idx.msk $0xffff, v6;
	v6 =	vshll.u32 v8, $0x1  }
0x3e: {  	v7 =	vor.u32 s30, v4;
	v5 =	vld.idx.msk [tilespmem:v5+s3+$0x0], $0xffff;
	v6 =	vand.u32 $0xFF80, v6  }
0x3f: {  	v6 =	vor.u32 v1, v6;
	_ =	sdelay $0x1  }
0x40: {  	s20 =	simm.s32 $0x60  }
0x41: {  	v8 =	vmov s20  }
0x42: {  	[tilespmem:v7+s9+$0x0] =	vst.idx.msk $0xffff, v5;
	v5 =	vshll.u32 v8, $0x1  }
0x43: {  	v7 =	vor.u32 s31, v0;
	v6 =	vld.idx.msk [tilespmem:v6+s3+$0x0], $0xffff;
	v5 =	vand.u32 $0xFF80, v5  }
0x44: {  	v5 =	vor.u32 v2, v5;
	_ =	sdelay $0x1  }
0x45: {  	s18 =	simm.s32 $0x70  }
0x46: {  	v8 =	vmov s18  }
0x47: {  	v8 =	vshll.u32 v8, $0x1;
	[tilespmem:v7+s9+$0x0] =	vst.idx.msk $0xffff, v6  }
0x48: {  	v6 =	vand.u32 $0xFF80, v8;
	v7 =	vor.u32 s20, v0;
	v5 =	vld.idx.msk [tilespmem:v5+s3+$0x0], $0xffff  }
0x49: {  	v6 =	vor.u32 v3, v6;
	_ =	sdelay $0x2  }
0x4a: {  	s19 =	simm.s32 $0x0;
	s20 =	simm.s32 $0xF0  }
.LBB2_4:
0x4b: {  	s21 =	sadd.s32 $0xFFFFFF90, s20;
	s19 =	sadd.s32 $0x8, s19;
	[tilespmem:v7+s9+$0x0] =	vst.idx.msk $0xffff, v5  }
0x4c: {  	v5 =	vmov s21;
	p1 =	slt.u32 s19, $0x4F8;
	v6 =	vld.idx.msk [tilespmem:v6+s3+$0x0], $0xffff  }
0x4d: {  	v7 =	vor.u32 s18, v0;
	s18 =	smov.u32 s20;
	v5 =	vshll.u32 v5, $0x1  }
0x4e: {  	v5 =	vor.u32 v0, v5;
	_ =	sdelay $0x2  }
0x4f: {  	s22 =	sadd.s32 $0xFFFFFFA0, s20  }
0x50: {  	v8 =	vmov s22;
	[tilespmem:v7+s9+$0x0] =	vst.idx.msk $0xffff, v6  }
0x51: {  	v6 =	vshll.u32 v8, $0x1;
	v5 =	vld.idx.msk [tilespmem:v5+s3+$0x0], $0xffff  }
0x52: {  	v7 =	vor.u32 s21, v0;
	v6 =	vand.u32 $0xFF00, v6  }
0x53: {  	v6 =	vor.u32 v1, v6;
	_ =	sdelay $0x2  }
0x54: {  	s21 =	sadd.s32 $0xFFFFFFB0, s20  }
0x55: {  	[tilespmem:v7+s9+$0x0] =	vst.idx.msk $0xffff, v5;
	v5 =	vmov s21  }
0x56: {  	v6 =	vld.idx.msk [tilespmem:v6+s3+$0x0], $0xffff;
	v5 =	vshll.u32 v5, $0x1  }
0x57: {  	v7 =	vor.u32 s22, v0;
	v5 =	vand.u32 $0xFF00, v5  }
0x58: {  	v5 =	vor.u32 v2, v5;
	_ =	sdelay $0x2  }
0x59: {  	s22 =	sadd.s32 $0xFFFFFFC0, s20  }
0x5a: {  	[tilespmem:v7+s9+$0x0] =	vst.idx.msk $0xffff, v6;
	v6 =	vmov s22  }
0x5b: {  	v5 =	vld.idx.msk [tilespmem:v5+s3+$0x0], $0xffff;
	v6 =	vshll.u32 v6, $0x1  }
0x5c: {  	v7 =	vor.u32 s21, v0;
	v6 =	vand.u32 $0xFF00, v6  }
0x5d: {  	v6 =	vor.u32 v3, v6;
	_ =	sdelay $0x3  }
0x5e: {  	s21 =	sadd.s32 $0xFFFFFFD0, s20;
	[tilespmem:v7+s9+$0x0] =	vst.idx.msk $0xffff, v5  }
0x5f: {  	v5 =	vld.idx.msk [tilespmem:v6+s3+$0x0], $0xffff;
	v6 =	vmov s21  }
0x60: {  	v7 =	vor.u32 s22, v0;
	v6 =	vshll.u32 v6, $0x1  }
0x61: {  	v6 =	vor.u32 v0, v6;
	_ =	sdelay $0x2  }
0x62: {  	s22 =	sadd.s32 $0xFFFFFFE0, s20  }
0x63: {  	[tilespmem:v7+s9+$0x0] =	vst.idx.msk $0xffff, v5;
	v5 =	vmov s22  }
0x64: {  	v6 =	vld.idx.msk [tilespmem:v6+s3+$0x0], $0xffff;
	v5 =	vshll.u32 v5, $0x1  }
0x65: {  	v7 =	vor.u32 s21, v4;
	v5 =	vand.u32 $0xFF80, v5  }
0x66: {  	v5 =	vor.u32 v1, v5;
	_ =	sdelay $0x2  }
0x67: {  	s21 =	sadd.s32 $0xFFFFFFF0, s20  }
0x68: {  	[tilespmem:v7+s9+$0x0] =	vst.idx.msk $0xffff, v6;
	v6 =	vmov s21  }
0x69: {  	v5 =	vld.idx.msk [tilespmem:v5+s3+$0x0], $0xffff;
	v6 =	vshll.u32 v6, $0x1  }
0x6a: {  	v7 =	vor.u32 s22, v0;
	v6 =	vand.u32 $0xFF80, v6  }
0x6b: {  	v6 =	vor.u32 v2, v6;
	_ =	sdelay $0x3  }
0x6c: {  	[tilespmem:v7+s9+$0x0] =	vst.idx.msk $0xffff, v5;
	v7 =	vmov s20  }
0x6d: {  	v5 =	vld.idx.msk [tilespmem:v6+s3+$0x0], $0xffff;
	v6 =	vshll.u32 v7, $0x1  }
.Ltmp5:
0x6e: {  	v7 =	vor.u32 s21, v0;
	v6 =	vand.u32 $0xFF80, v6;
	(pc) =	sbr.rel @p1 .LBB2_4-.Ltmp5, $2  }
0x6f: {  	v6 =	vor.u32 v3, v6;
	_ =	sdelay $0x2  }
0x70: {  	s20 =	sadd.s32 $0x80, s20  }
0x71: {  	_ =	sdelay $0x3  }
0x72: {  	[tilespmem:v7+s9+$0x0] =	vst.idx.msk $0xffff, v5  }
0x73: {  	v5 =	vld.idx.msk [tilespmem:v6+s3+$0x0], $0xffff;
	v6 =	vor.u32 s18, v0  }
0x74: {  	p1 =	sgt.u32 s16, $0xC14  }
.Ltmp6:
0x75: {  	_ = 	snop;
	(pc) =	sbr.rel @p1 .LBB2_8-.Ltmp6, $3  }
0x76: {  	s31 =	smul.u32 $0xA00, s17;
	_ =	sdelay $0x1  }
0x77: {  	s18 =	sadd.s32 s2, s31;
	[tilespmem:v6+s9+$0x0] =	vst.idx.msk $0xffff, v5  }
0x78: {  	[hbm4b:s18+s3] =	stream.linear.scatter [tilespmem:s9], [sflag:$0x3], $0x5000, $0x38;
	[tilespmem:$0x1E000] =	vst v63  }
0x79: {  	s18 =	smul.u32 $0xA000, s16;
	_ =	sdelay $0x1  }
0x7a: {  	s18 =	sshrl.u32 s18, $0x3  }
0x7b: {  	s18 =	sadd.s32 s5, s18  }
0x7c: {  	s18 =	sadd.s32 $0x28000, s18  }
0x7d: {  	[tilespmem:s3], [sflag:$0x1] =	stream.linear.gather [hbm4b:s18+s3], $0xA000, $0x38;
	[tilespmem:$0x1E000] =	vst v63  }
.LBB2_7:
0x7e: {  	s17 =	sadd.s32 $0xFFFFFFE0, s17  }
0x7f: {  	p1 =	sgt.u32 s17, $0xC34  }
.Ltmp7:
0x80: {  	_ = 	snop;
	(pc) =	sbr.rel @p1 .LBB2_9-.Ltmp7, $1  }
0x81: {  	_ =	sdelay $0x3  }
.LBB2_8:
0x82: {  	_ =	swait.ge [sflag:s10], $0x5000  }
0x83: {  	[sflag:s10] =	ssyncset.done $0x0  }
0x84: {  	[sflag:s10] =	ssyncadd.s32 $0xFFFFB000  }
.LBB2_9:
.Ltmp8:
0x85: {  	(pc) =	sbr.rel @p0 .LBB2_13-.Ltmp8, $1  }
0x86: {  	_ =	sdelay $0x3  }
0x87: {  	s17 =	simm.s32 $0x0  }
0x88: {  	v5 =	vmov s17  }
0x89: {  	v5 =	vshll.u32 v5, $0x1  }
0x8a: {  	v5 =	vor.u32 v0, v5;
	_ =	sdelay $0x1  }
0x8b: {  	_ =	swait.ge [sflag:s11], $0xA000;
	s18 =	simm.s32 $0x10  }
0x8c: {  	[sflag:s11] =	ssyncset.done $0x0;
	v6 =	vmov s18  }
0x8d: {  	[sflag:s11] =	ssyncadd.s32 $0xFFFF6000;
	v6 =	vshll.u32 v6, $0x1  }
0x8e: {  	v7 =	vor.u32 s17, v0;
	v6 =	vand.u32 $0xFF00, v6;
	v5 =	vld.idx.msk [tilespmem:v5+s12+$0x0], $0xffff  }
0x8f: {  	v6 =	vor.u32 v1, v6;
	_ =	sdelay $0x1  }
0x90: {  	s28 =	simm.s32 $0x20  }
0x91: {  	v8 =	vmov s28  }
0x92: {  	[tilespmem:v7+s13+$0x0] =	vst.idx.msk $0xffff, v5;
	v5 =	vshll.u32 v8, $0x1  }
0x93: {  	v7 =	vor.u32 s18, v0;
	v6 =	vld.idx.msk [tilespmem:v6+s12+$0x0], $0xffff;
	v5 =	vand.u32 $0xFF00, v5  }
0x94: {  	v5 =	vor.u32 v2, v5;
	_ =	sdelay $0x1  }
0x95: {  	s29 =	simm.s32 $0x30  }
0x96: {  	v8 =	vmov s29  }
0x97: {  	[tilespmem:v7+s13+$0x0] =	vst.idx.msk $0xffff, v6;
	v6 =	vshll.u32 v8, $0x1  }
0x98: {  	v7 =	vor.u32 s28, v0;
	v5 =	vld.idx.msk [tilespmem:v5+s12+$0x0], $0xffff;
	v6 =	vand.u32 $0xFF00, v6  }
0x99: {  	v6 =	vor.u32 v3, v6;
	_ =	sdelay $0x2  }
0x9a: {  	s30 =	simm.s32 $0x40  }
0x9b: {  	[tilespmem:v7+s13+$0x0] =	vst.idx.msk $0xffff, v5;
	v5 =	vmov s30  }
0x9c: {  	v7 =	vor.u32 s29, v0;
	v6 =	vld.idx.msk [tilespmem:v6+s12+$0x0], $0xffff;
	v5 =	vshll.u32 v5, $0x1  }
0x9d: {  	v5 =	vor.u32 v0, v5;
	_ =	sdelay $0x1  }
0x9e: {  	s31 =	simm.s32 $0x50  }
0x9f: {  	v8 =	vmov s31  }
0xa0: {  	[tilespmem:v7+s13+$0x0] =	vst.idx.msk $0xffff, v6;
	v6 =	vshll.u32 v8, $0x1  }
0xa1: {  	v7 =	vor.u32 s30, v4;
	v5 =	vld.idx.msk [tilespmem:v5+s12+$0x0], $0xffff;
	v6 =	vand.u32 $0xFF80, v6  }
0xa2: {  	v6 =	vor.u32 v1, v6;
	_ =	sdelay $0x1  }
0xa3: {  	s19 =	simm.s32 $0x60  }
0xa4: {  	v8 =	vmov s19  }
0xa5: {  	[tilespmem:v7+s13+$0x0] =	vst.idx.msk $0xffff, v5;
	v5 =	vshll.u32 v8, $0x1  }
0xa6: {  	v7 =	vor.u32 s31, v0;
	v6 =	vld.idx.msk [tilespmem:v6+s12+$0x0], $0xffff;
	v5 =	vand.u32 $0xFF80, v5  }
0xa7: {  	v5 =	vor.u32 v2, v5;
	_ =	sdelay $0x1  }
0xa8: {  	s17 =	simm.s32 $0x70  }
0xa9: {  	v8 =	vmov s17  }
0xaa: {  	v8 =	vshll.u32 v8, $0x1;
	[tilespmem:v7+s13+$0x0] =	vst.idx.msk $0xffff, v6  }
0xab: {  	v6 =	vand.u32 $0xFF80, v8;
	v7 =	vor.u32 s19, v0;
	v5 =	vld.idx.msk [tilespmem:v5+s12+$0x0], $0xffff  }
0xac: {  	v6 =	vor.u32 v3, v6;
	_ =	sdelay $0x2  }
0xad: {  	s18 =	simm.s32 $0x0;
	s19 =	simm.s32 $0xF0  }
.LBB2_11:
0xae: {  	s20 =	sadd.s32 $0xFFFFFF90, s19;
	s18 =	sadd.s32 $0x8, s18;
	[tilespmem:v7+s13+$0x0] =	vst.idx.msk $0xffff, v5  }
0xaf: {  	v5 =	vmov s20;
	p0 =	slt.u32 s18, $0x4F8;
	v6 =	vld.idx.msk [tilespmem:v6+s12+$0x0], $0xffff  }
0xb0: {  	v7 =	vor.u32 s17, v0;
	s17 =	smov.u32 s19;
	v5 =	vshll.u32 v5, $0x1  }
0xb1: {  	v5 =	vor.u32 v0, v5;
	_ =	sdelay $0x2  }
0xb2: {  	s21 =	sadd.s32 $0xFFFFFFA0, s19  }
0xb3: {  	v8 =	vmov s21;
	[tilespmem:v7+s13+$0x0] =	vst.idx.msk $0xffff, v6  }
0xb4: {  	v6 =	vshll.u32 v8, $0x1;
	v5 =	vld.idx.msk [tilespmem:v5+s12+$0x0], $0xffff  }
0xb5: {  	v7 =	vor.u32 s20, v0;
	v6 =	vand.u32 $0xFF00, v6  }
0xb6: {  	v6 =	vor.u32 v1, v6;
	_ =	sdelay $0x2  }
0xb7: {  	s20 =	sadd.s32 $0xFFFFFFB0, s19  }
0xb8: {  	[tilespmem:v7+s13+$0x0] =	vst.idx.msk $0xffff, v5;
	v5 =	vmov s20  }
0xb9: {  	v6 =	vld.idx.msk [tilespmem:v6+s12+$0x0], $0xffff;
	v5 =	vshll.u32 v5, $0x1  }
0xba: {  	v7 =	vor.u32 s21, v0;
	v5 =	vand.u32 $0xFF00, v5  }
0xbb: {  	v5 =	vor.u32 v2, v5;
	_ =	sdelay $0x2  }
0xbc: {  	s21 =	sadd.s32 $0xFFFFFFC0, s19  }
0xbd: {  	[tilespmem:v7+s13+$0x0] =	vst.idx.msk $0xffff, v6;
	v6 =	vmov s21  }
0xbe: {  	v5 =	vld.idx.msk [tilespmem:v5+s12+$0x0], $0xffff;
	v6 =	vshll.u32 v6, $0x1  }
0xbf: {  	v7 =	vor.u32 s20, v0;
	v6 =	vand.u32 $0xFF00, v6  }
0xc0: {  	v6 =	vor.u32 v3, v6;
	_ =	sdelay $0x3  }
0xc1: {  	s20 =	sadd.s32 $0xFFFFFFD0, s19;
	[tilespmem:v7+s13+$0x0] =	vst.idx.msk $0xffff, v5  }
0xc2: {  	v5 =	vld.idx.msk [tilespmem:v6+s12+$0x0], $0xffff;
	v6 =	vmov s20  }
0xc3: {  	v7 =	vor.u32 s21, v0;
	v6 =	vshll.u32 v6, $0x1  }
0xc4: {  	v6 =	vor.u32 v0, v6;
	_ =	sdelay $0x2  }
0xc5: {  	s21 =	sadd.s32 $0xFFFFFFE0, s19  }
0xc6: {  	[tilespmem:v7+s13+$0x0] =	vst.idx.msk $0xffff, v5;
	v5 =	vmov s21  }
0xc7: {  	v6 =	vld.idx.msk [tilespmem:v6+s12+$0x0], $0xffff;
	v5 =	vshll.u32 v5, $0x1  }
0xc8: {  	v7 =	vor.u32 s20, v4;
	v5 =	vand.u32 $0xFF80, v5  }
0xc9: {  	v5 =	vor.u32 v1, v5;
	_ =	sdelay $0x2  }
0xca: {  	s20 =	sadd.s32 $0xFFFFFFF0, s19  }
0xcb: {  	[tilespmem:v7+s13+$0x0] =	vst.idx.msk $0xffff, v6;
	v6 =	vmov s20  }
0xcc: {  	v5 =	vld.idx.msk [tilespmem:v5+s12+$0x0], $0xffff;
	v6 =	vshll.u32 v6, $0x1  }
0xcd: {  	v7 =	vor.u32 s21, v0;
	v6 =	vand.u32 $0xFF80, v6  }
0xce: {  	v6 =	vor.u32 v2, v6;
	_ =	sdelay $0x3  }
0xcf: {  	[tilespmem:v7+s13+$0x0] =	vst.idx.msk $0xffff, v5;
	v7 =	vmov s19  }
0xd0: {  	v5 =	vld.idx.msk [tilespmem:v6+s12+$0x0], $0xffff;
	v6 =	vshll.u32 v7, $0x1  }
.Ltmp9:
0xd1: {  	v7 =	vor.u32 s20, v0;
	v6 =	vand.u32 $0xFF80, v6;
	(pc) =	sbr.rel @p0 .LBB2_11-.Ltmp9, $2  }
0xd2: {  	v6 =	vor.u32 v3, v6;
	_ =	sdelay $0x2  }
0xd3: {  	s19 =	sadd.s32 $0x80, s19  }
0xd4: {  	_ =	sdelay $0x3  }
0xd5: {  	[tilespmem:v7+s13+$0x0] =	vst.idx.msk $0xffff, v5  }
0xd6: {  	v5 =	vld.idx.msk [tilespmem:v6+s12+$0x0], $0xffff;
	v6 =	vor.u32 s17, v0;
	_ =	sdelay $0x1  }
.Ltmp10:
0xd7: {  	_ = 	snop;
	(pc) =	sbr.rel .LBB2_13-.Ltmp10, $3  }
0xd8: {  	s16 =	smul.u32 $0xA00, s16;
	_ =	sdelay $0x1  }
0xd9: {  	s16 =	sadd.s32 s2, s16;
	[tilespmem:v6+s13+$0x0] =	vst.idx.msk $0xffff, v5  }
0xda: {  	[hbm4b:s16+s3] =	stream.linear.scatter [tilespmem:s13], [sflag:$0x4], $0x5000, $0x38;
	[tilespmem:$0x1E000] =	vst v63  }
.LBB2_15:
0xdb: {  	_ =	sfence.sel $0x180000  }
0xdc: {  	[bflag:$0x0] =	sbarrier.arrive $0xFFFF  }
0xdd: {  	p0 =	sne.s32 s1, $0x0;
	_ =	strace $0x90000047  }
0xde: {  	s0 =	sadd.s32 @!p0 $0x100000, s0;
	[bflag:$0x2] =	sbarrier.arrive $0xFFFF  }
0xdf: {  	[sflag:s0] =	ssyncadd.tile.s32 @!p0 $0x1;
	_ =	shalt  }
.Lfunc_end2:
_tile_overlayer_lowered:
.L_overlay_start_2:
0xe0: {  	(tag) =	ssettag $0x2  }
0xe1: {  	s0 =	rddreg [dreg:$0x0];
	s2 =	stileid.u32  }
0xe2: {  	s1 =	rddreg [dreg:$0x1];
	p0 =	sne.s32 s2, $0x0  }
0xe3: {  	s3 =	rddreg [dreg:$0x2];
	[bflag:$0x3] =	sbarrier.arrive $0xFFFF;
	s2 =	simm.s32 @!p0 $0x1C05  }
0xe4: {  	[timem:s3], [sflag:s2] =	dma.local @!p0 [hbm:s0], s1  }
0xe5: {  	s0 =	simm.s32 @!p0 $0x5  }
0xe6: {  	_ =	swait.ge @!p0 [sflag:s0], s1  }
0xe7: {  	s1 =	ssub.s32 @!p0 $0x0, s1;
	[sflag:s0] =	ssyncset.done @!p0 $0x0  }
0xe8: {  	[sflag:s0] =	ssyncadd.s32 @!p0 s1  }
0xe9: {  	[bflag:$0x3] =	sbarrier.arrive $0xFFFF  }
0xea: {  	_ =	shalt  }

</sc_bundles>
